<compile_context>
chip_gen: v7x
topology: tpu7x:2x2x1
jax: 0.10.2.dev20260603
libtpu: 0.0.44.dev20260713+nightly
codegen_flags: <defaults>
</compile_context>

<pallas_src>
import functools

import jax
import jax.numpy as jnp
from jax import lax
from jax.experimental import pallas as pl
from jax.experimental.pallas import tpu as pltpu
from jax.experimental.pallas import tpu_sc as plsc

V = 1000000
D = 128
B = 1024
H = 50
N = 10

NC = 2
NS = 16
NW = NC * NS

S_PER_W = B // NW
H_ROWS = B * H
H_PER_W = H_ROWS // NW
N_ROWS = B * N
N_PER_W = N_ROWS // NW
CH = 64
H_CHUNKS = H_PER_W // CH
N_CHUNKS = N_PER_W // CH

def _sc_gather_body(table, s_idx, t_idx, h_idx, n_idx,
                    s_out, t_out, h_out, n_out,
                    s_idx_v, t_idx_v, h_idx_v, n_idx_v,
                    sbuf, buf, sem, gsem, wsem):
    w = lax.axis_index("s") * NC + lax.axis_index("c")

    pltpu.sync_copy(s_idx.at[w], s_idx_v)
    pltpu.sync_copy(t_idx.at[w], t_idx_v)
    pltpu.sync_copy(h_idx.at[w], h_idx_v)
    pltpu.sync_copy(n_idx.at[w], n_idx_v)

    base_s = w * S_PER_W
    pltpu.async_copy(table.at[s_idx_v], sbuf, sem).wait()
    pltpu.sync_copy(sbuf, s_out.at[pl.ds(base_s, S_PER_W)])
    pltpu.async_copy(table.at[t_idx_v], sbuf, sem).wait()
    pltpu.sync_copy(sbuf, t_out.at[pl.ds(base_s, S_PER_W)])

    base_h = w * H_PER_W

    pltpu.async_copy(table.at[h_idx_v.at[0]], buf.at[0], gsem.at[0])

    def h_body(c, carry):
        p = c % 2
        pn = (c + 1) % 2
        pltpu.make_async_copy(
            table.at[h_idx_v.at[c]], buf.at[p], gsem.at[p]).wait()

        @pl.when(c >= 1)
        def _():
            pltpu.make_async_copy(
                buf.at[pn], h_out.at[pl.ds(base_h, CH)], wsem.at[pn]).wait()

        @pl.when(c + 1 < H_CHUNKS)
        def _():
            pltpu.async_copy(
                table.at[h_idx_v.at[c + 1]], buf.at[pn], gsem.at[pn])

        pltpu.async_copy(
            buf.at[p], h_out.at[pl.ds(base_h + c * CH, CH)], wsem.at[p])
        return carry

    lax.fori_loop(0, H_CHUNKS, h_body, 0)
    pltpu.make_async_copy(
        buf.at[(H_CHUNKS - 1) % 2], h_out.at[pl.ds(base_h, CH)],
        wsem.at[(H_CHUNKS - 1) % 2]).wait()

    base_n = w * N_PER_W

    def n_body(c, carry):
        pltpu.async_copy(table.at[n_idx_v.at[c]], buf.at[0], sem).wait()
        pltpu.sync_copy(buf.at[0], n_out.at[pl.ds(base_n + c * CH, CH)])
        return carry

    lax.fori_loop(0, N_CHUNKS, n_body, 0)


@functools.cache
def _sc_gather_kernel():
    mesh = plsc.VectorSubcoreMesh(core_axis_name="c", subcore_axis_name="s")
    return pl.kernel(
        _sc_gather_body,
        out_type=(
            jax.ShapeDtypeStruct((B, D), jnp.float32),
            jax.ShapeDtypeStruct((B, D), jnp.float32),
            jax.ShapeDtypeStruct((H_ROWS, D), jnp.float32),
            jax.ShapeDtypeStruct((N_ROWS, D), jnp.float32),
        ),
        mesh=mesh,
        scratch_types=[
            pltpu.VMEM((S_PER_W,), jnp.int32),
            pltpu.VMEM((S_PER_W,), jnp.int32),
            pltpu.VMEM((H_CHUNKS, CH), jnp.int32),
            pltpu.VMEM((N_CHUNKS, CH), jnp.int32),
            pltpu.VMEM((S_PER_W, D), jnp.float32),
            pltpu.VMEM((2, CH, D), jnp.float32),
            pltpu.SemaphoreType.DMA,
            pltpu.SemaphoreType.DMA((2,)),
            pltpu.SemaphoreType.DMA((2,)),
        ],
    )


BB = 128
GRID = B // BB


def _tc_body(s_ref, t_ref, h_ref, n_ref, d_ref,
             tt_ref, ht_ref, m_ref, out_ref):
    i = pl.program_id(0)
    s = s_ref[:]
    t = t_ref[:]
    h = h_ref[:].reshape(BB, H, D)
    n = n_ref[:].reshape(BB, N, D)
    delta = d_ref[:]
    tt = tt_ref[:]
    ht = ht_ref[:]
    m = m_ref[:]

    d_time = jnp.abs(tt - ht)
    decay = jnp.exp(delta * d_time)

    s3 = s[:, None, :]
    t3 = t[:, None, :]
    ss = jnp.sum(s * s, axis=1, keepdims=True)
    tt2 = jnp.sum(t * t, axis=1, keepdims=True)
    st = jnp.sum(s * t, axis=1, keepdims=True)
    sh = jnp.sum(s3 * h, axis=2)
    htd = jnp.sum(t3 * h, axis=2)
    hh = jnp.sum(h * h, axis=2)

    att_logit = 2.0 * sh - hh - ss
    att = jax.nn.softmax(att_logit, axis=1)
    c = att * m * decay

    C = jnp.sum(c, axis=1, keepdims=True)
    S = jnp.sum(c * hh, axis=1, keepdims=True)
    q = jnp.sum(c[:, :, None] * h, axis=1)

    p_alpha = 2.0 * htd - hh - tt2
    p_mu = 2.0 * st - ss - tt2
    p_lambda = p_mu[:, 0] + jnp.sum(c * p_alpha, axis=1)

    sn = jnp.sum(s3 * n, axis=2)
    nn = jnp.sum(n * n, axis=2)
    qn = jnp.sum(q[:, None, :] * n, axis=2)
    n_mu = 2.0 * sn - nn - ss
    n_lambda = n_mu - S + 2.0 * qn - C * nn

    pos_loss = -jnp.log(jax.nn.sigmoid(p_lambda) + 1e-06)
    neg_loss = jnp.sum(jnp.log(jax.nn.sigmoid(-n_lambda) + 1e-06), axis=1)
    out_ref[i, :] = pos_loss - neg_loss


def _tc_math(s_emb, t_emb, h_emb, n_emb, delta,
             t_times, h_times, h_time_mask):
    return pl.pallas_call(
        _tc_body,
        grid=(GRID,),
        in_specs=[
            pl.BlockSpec((BB, D), lambda i: (i, 0)),
            pl.BlockSpec((BB, D), lambda i: (i, 0)),
            pl.BlockSpec((BB * H, D), lambda i: (i, 0)),
            pl.BlockSpec((BB * N, D), lambda i: (i, 0)),
            pl.BlockSpec((BB, 1), lambda i: (i, 0)),
            pl.BlockSpec((BB, 1), lambda i: (i, 0)),
            pl.BlockSpec((BB, H), lambda i: (i, 0)),
            pl.BlockSpec((BB, H), lambda i: (i, 0)),
        ],
        out_specs=pl.BlockSpec((GRID, BB), lambda i: (0, 0)),
        out_shape=jax.ShapeDtypeStruct((GRID, BB), jnp.float32),
    )(s_emb, t_emb, h_emb, n_emb, delta,
      t_times, h_times, h_time_mask)


def kernel(s_nodes, t_nodes, t_times, h_nodes, h_times, h_time_mask,
           n_nodes, node_emb, delta_emb):
    i32 = jnp.int32
    s_idx = s_nodes.reshape(NW, S_PER_W).astype(i32)
    t_idx = t_nodes.reshape(NW, S_PER_W).astype(i32)
    h_idx = h_nodes.reshape(NW, H_CHUNKS, CH).astype(i32)
    n_idx = n_nodes.reshape(NW, N_CHUNKS, CH).astype(i32)
    s_emb, t_emb, h_emb, n_emb = _sc_gather_kernel()(
        node_emb, s_idx, t_idx, h_idx, n_idx)

    delta = jnp.take(delta_emb, s_nodes[:, 0], axis=0)

    loss = _tc_math(s_emb, t_emb, h_emb, n_emb, delta,
                    t_times, h_times, h_time_mask)
    return loss.reshape(B)

# --- scband reference (transcript-rebuilt; emitter-appended) ---
"""Pipeline reference for scband-htne-73323681677346 (READ-ONLY COPY).

The authoritative reference and input builder live on the scoring server;
editing this copy changes nothing except your own understanding.
"""

import jax, jax.numpy as jnp
import numpy as np

V = 1000000
D = 128
B = 1024
H = 50
N = 10


def setup_inputs(seed: int = 0) -> dict:
    key = jax.random.key(seed)
    ks = jax.random.split(key, 8)
    s_nodes = jax.random.randint(ks[0], (B, 1), 0, V, dtype=jnp.int64 if jax.config.jax_enable_x64 else jnp.int32)
    t_nodes = jax.random.randint(ks[1], (B, 1), 0, V, dtype=s_nodes.dtype)
    t_times = jax.random.uniform(ks[2], (B, 1), dtype=jnp.float32)
    h_nodes = jax.random.randint(ks[3], (B, H), 0, V, dtype=s_nodes.dtype)
    h_times = jax.random.uniform(ks[4], (B, H), dtype=jnp.float32)
    h_time_mask = jnp.ones((B, H), dtype=jnp.float32)
    n_nodes = jax.random.randint(ks[5], (B, N), 0, V, dtype=s_nodes.dtype)
    node_emb = jax.random.uniform(ks[6], (V, D), minval=-1.0 / D, maxval=1.0 / D, dtype=jnp.float32)
    delta_emb = jnp.ones((V, 1), dtype=jnp.float32)
    return {
        "s_nodes": s_nodes,
        "t_nodes": t_nodes,
        "t_times": t_times,
        "h_nodes": h_nodes,
        "h_times": h_times,
        "h_time_mask": h_time_mask,
        "n_nodes": n_nodes,
        "node_emb": node_emb,
        "delta_emb": delta_emb,
    }


def reference(s_nodes, t_nodes, t_times, h_nodes, h_times, h_time_mask, n_nodes, node_emb, delta_emb):
    # embedding lookups (gathers)
    src_emb = jnp.take(node_emb, s_nodes, axis=0)   # [B, 1, D]
    h_emb = jnp.take(node_emb, h_nodes, axis=0)     # [B, H, D]
    tar_emb = jnp.take(node_emb, t_nodes, axis=0)   # [B, 1, D]
    n_emb = jnp.take(node_emb, n_nodes, axis=0)     # [B, N, D]
    delta = jnp.take(delta_emb, s_nodes, axis=0)[:, :, 0]  # [B, 1]  (squeeze dim 2)
    d_time = jnp.abs(t_times - h_times)             # [B, H]

    # old (new=False) model path
    att = jax.nn.softmax(-jnp.sum((src_emb - h_emb) ** 2, axis=2), axis=1)       # [B, H]
    p_mu = -jnp.sum((src_emb - tar_emb) ** 2, axis=2)[:, 0]                      # [B]
    p_alpha = -jnp.sum((h_emb - tar_emb) ** 2, axis=2)                           # [B, H]
    n_mu = -jnp.sum((src_emb - n_emb) ** 2, axis=2)                              # [B, N]
    n_alpha = -jnp.sum((h_emb[:, :, None, :] - n_emb[:, None, :, :]) ** 2, axis=3)  # [B, H, N]

    decay = jnp.exp(delta * d_time)                                              # [B, H]
    p_lambda = p_mu + jnp.sum(att * h_time_mask * p_alpha * decay, axis=1)       # [B]
    n_lambda = n_mu + jnp.sum((att * h_time_mask)[:, :, None] * n_alpha * decay[:, :, None], axis=1)  # [B, N]

    pos_loss = -jnp.log(jax.nn.sigmoid(p_lambda) + 1e-06)
    neg_loss = jnp.sum(jnp.log(jax.nn.sigmoid(-n_lambda) + 1e-06), axis=1)
    loss = pos_loss - neg_loss                                                   # [B]
    return loss

if __name__ == "__main__":
    import jax
    _d = setup_inputs()
    print(jax.jit(kernel)(*tuple(_d.values())))

</pallas_src>

<mosaic_0001>
#map = affine_map<(d0, d1) -> (0, 0)>
#map1 = affine_map<(d0, d1) -> (0, 0, 0)>
module attributes {stable_mosaic.version = 14 : i64} {
  func.func @_sc_gather_body(%arg0: i32, %arg1: i32, %arg2: memref<1000000x128xf32, #tpu.memory_space<hbm>>, %arg3: memref<32x32xi32, #tpu.memory_space<hbm>>, %arg4: memref<32x32xi32, #tpu.memory_space<hbm>>, %arg5: memref<32x25x64xi32, #tpu.memory_space<hbm>>, %arg6: memref<32x5x64xi32, #tpu.memory_space<hbm>>, %arg7: memref<1024x128xf32, #tpu.memory_space<hbm>>, %arg8: memref<1024x128xf32, #tpu.memory_space<hbm>>, %arg9: memref<51200x128xf32, #tpu.memory_space<hbm>>, %arg10: memref<10240x128xf32, #tpu.memory_space<hbm>>, %arg11: memref<32xi32, #tpu.memory_space<vmem>>, %arg12: memref<32xi32, #tpu.memory_space<vmem>>, %arg13: memref<25x64xi32, #tpu.memory_space<vmem>>, %arg14: memref<5x64xi32, #tpu.memory_space<vmem>>, %arg15: memref<32x128xf32, #tpu.memory_space<vmem>>, %arg16: memref<2x64x128xf32, #tpu.memory_space<vmem>>, %arg17: memref<!tpu.dma_semaphore, #tpu.memory_space<semaphore_mem>>, %arg18: memref<2x!tpu.dma_semaphore, #tpu.memory_space<semaphore_mem>>, %arg19: memref<2x!tpu.dma_semaphore, #tpu.memory_space<semaphore_mem>>) attributes {dimension_semantics = [#tpu.dimension_semantics<core_parallel>, #tpu.dimension_semantics<subcore_parallel>], iteration_bounds = array<i64: 2, 16>, scalar_prefetch = 0 : i64, scratch_operands = 9 : i64, tpu.core_type = #tpu.core_type<sc_vector_subcore>, window_params = [{transform_indices = #map}, {transform_indices = #map}, {transform_indices = #map}, {transform_indices = #map1}, {transform_indices = #map1}, {transform_indices = #map}, {transform_indices = #map}, {transform_indices = #map}, {transform_indices = #map}]} {
    %mul3A = arith.constant 2 : i32
    %mul3A_0 = arith.muli %arg1, %mul3A : i32
    %add3A = arith.addi %mul3A_0, %arg0 : i32
    "tpu.region"() ({
      %run_scoped3A = tpu.sem_alloc : memref<!tpu.dma_semaphore, #tpu.memory_space<semaphore_mem>>
      %dma_start3A_59 = arith.constant 0 : i32
      %dma_start3A_60 = tpu.memref_slice %arg3[%add3A, %dma_start3A_59] : memref<32x32xi32, #tpu.memory_space<hbm>> -> memref<1x32xi32, #tpu.memory_space<hbm>>
      %dma_start3A_61 = tpu.memref_squeeze %dma_start3A_60 : memref<1x32xi32, #tpu.memory_space<hbm>> -> memref<32xi32, #tpu.memory_space<hbm>>
      %dma_start3A_62 = arith.constant 0 : i32
      %dma_start3A_63 = tpu.memref_slice %arg3[%add3A, %dma_start3A_62] : memref<32x32xi32, #tpu.memory_space<hbm>> -> memref<1x32xi32, #tpu.memory_space<hbm>>
      %dma_start3A_64 = tpu.memref_squeeze %dma_start3A_63 : memref<1x32xi32, #tpu.memory_space<hbm>> -> memref<32xi32, #tpu.memory_space<hbm>>
      tpu.enqueue_dma source(%dma_start3A_64 : memref<32xi32, #tpu.memory_space<hbm>>) target(%arg11 : memref<32xi32, #tpu.memory_space<vmem>>) target_semaphore(%run_scoped3A : memref<!tpu.dma_semaphore, #tpu.memory_space<semaphore_mem>>)
      %dma_wait3A_65 = arith.constant 0 : i32
      %dma_wait3A_66 = tpu.memref_slice %arg3[%add3A, %dma_wait3A_65] : memref<32x32xi32, #tpu.memory_space<hbm>> -> memref<1x32xi32, #tpu.memory_space<hbm>>
      %dma_wait3A_67 = tpu.memref_squeeze %dma_wait3A_66 : memref<1x32xi32, #tpu.memory_space<hbm>> -> memref<32xi32, #tpu.memory_space<hbm>>
      %dma_wait3A_68 = arith.constant 0 : i32
      %dma_wait3A_69 = tpu.memref_slice %arg3[%add3A, %dma_wait3A_68] : memref<32x32xi32, #tpu.memory_space<hbm>> -> memref<1x32xi32, #tpu.memory_space<hbm>>
      %dma_wait3A_70 = tpu.memref_squeeze %dma_wait3A_69 : memref<1x32xi32, #tpu.memory_space<hbm>> -> memref<32xi32, #tpu.memory_space<hbm>>
      tpu.wait_dma2 semaphore(%run_scoped3A : memref<!tpu.dma_semaphore, #tpu.memory_space<semaphore_mem>>) src(%dma_wait3A_70 : memref<32xi32, #tpu.memory_space<hbm>>) dst(%arg11 : memref<32xi32, #tpu.memory_space<vmem>>)
      tpu.yield
    }) : () -> ()
    "tpu.region"() ({
      %run_scoped3A = tpu.sem_alloc : memref<!tpu.dma_semaphore, #tpu.memory_space<semaphore_mem>>
      %dma_start3A_59 = arith.constant 0 : i32
      %dma_start3A_60 = tpu.memref_slice %arg4[%add3A, %dma_start3A_59] : memref<32x32xi32, #tpu.memory_space<hbm>> -> memref<1x32xi32, #tpu.memory_space<hbm>>
      %dma_start3A_61 = tpu.memref_squeeze %dma_start3A_60 : memref<1x32xi32, #tpu.memory_space<hbm>> -> memref<32xi32, #tpu.memory_space<hbm>>
      %dma_start3A_62 = arith.constant 0 : i32
      %dma_start3A_63 = tpu.memref_slice %arg4[%add3A, %dma_start3A_62] : memref<32x32xi32, #tpu.memory_space<hbm>> -> memref<1x32xi32, #tpu.memory_space<hbm>>
      %dma_start3A_64 = tpu.memref_squeeze %dma_start3A_63 : memref<1x32xi32, #tpu.memory_space<hbm>> -> memref<32xi32, #tpu.memory_space<hbm>>
      tpu.enqueue_dma source(%dma_start3A_64 : memref<32xi32, #tpu.memory_space<hbm>>) target(%arg12 : memref<32xi32, #tpu.memory_space<vmem>>) target_semaphore(%run_scoped3A : memref<!tpu.dma_semaphore, #tpu.memory_space<semaphore_mem>>)
      %dma_wait3A_65 = arith.constant 0 : i32
      %dma_wait3A_66 = tpu.memref_slice %arg4[%add3A, %dma_wait3A_65] : memref<32x32xi32, #tpu.memory_space<hbm>> -> memref<1x32xi32, #tpu.memory_space<hbm>>
      %dma_wait3A_67 = tpu.memref_squeeze %dma_wait3A_66 : memref<1x32xi32, #tpu.memory_space<hbm>> -> memref<32xi32, #tpu.memory_space<hbm>>
      %dma_wait3A_68 = arith.constant 0 : i32
      %dma_wait3A_69 = tpu.memref_slice %arg4[%add3A, %dma_wait3A_68] : memref<32x32xi32, #tpu.memory_space<hbm>> -> memref<1x32xi32, #tpu.memory_space<hbm>>
      %dma_wait3A_70 = tpu.memref_squeeze %dma_wait3A_69 : memref<1x32xi32, #tpu.memory_space<hbm>> -> memref<32xi32, #tpu.memory_space<hbm>>
      tpu.wait_dma2 semaphore(%run_scoped3A : memref<!tpu.dma_semaphore, #tpu.memory_space<semaphore_mem>>) src(%dma_wait3A_70 : memref<32xi32, #tpu.memory_space<hbm>>) dst(%arg12 : memref<32xi32, #tpu.memory_space<vmem>>)
      tpu.yield
    }) : () -> ()
    "tpu.region"() ({
      %run_scoped3A = tpu.sem_alloc : memref<!tpu.dma_semaphore, #tpu.memory_space<semaphore_mem>>
      %dma_start3A_59 = arith.constant 0 : i32
      %dma_start3A_60 = arith.constant 0 : i32
      %dma_start3A_61 = tpu.memref_slice %arg5[%add3A, %dma_start3A_59, %dma_start3A_60] : memref<32x25x64xi32, #tpu.memory_space<hbm>> -> memref<1x25x64xi32, #tpu.memory_space<hbm>>
      %dma_start3A_62 = tpu.memref_squeeze %dma_start3A_61 : memref<1x25x64xi32, #tpu.memory_space<hbm>> -> memref<25x64xi32, #tpu.memory_space<hbm>>
      %dma_start3A_63 = arith.constant 0 : i32
      %dma_start3A_64 = arith.constant 0 : i32
      %dma_start3A_65 = tpu.memref_slice %arg5[%add3A, %dma_start3A_63, %dma_start3A_64] : memref<32x25x64xi32, #tpu.memory_space<hbm>> -> memref<1x25x64xi32, #tpu.memory_space<hbm>>
      %dma_start3A_66 = tpu.memref_squeeze %dma_start3A_65 : memref<1x25x64xi32, #tpu.memory_space<hbm>> -> memref<25x64xi32, #tpu.memory_space<hbm>>
      tpu.enqueue_dma source(%dma_start3A_66 : memref<25x64xi32, #tpu.memory_space<hbm>>) target(%arg13 : memref<25x64xi32, #tpu.memory_space<vmem>>) target_semaphore(%run_scoped3A : memref<!tpu.dma_semaphore, #tpu.memory_space<semaphore_mem>>)
      %dma_wait3A_67 = arith.constant 0 : i32
      %dma_wait3A_68 = arith.constant 0 : i32
      %dma_wait3A_69 = tpu.memref_slice %arg5[%add3A, %dma_wait3A_67, %dma_wait3A_68] : memref<32x25x64xi32, #tpu.memory_space<hbm>> -> memref<1x25x64xi32, #tpu.memory_space<hbm>>
      %dma_wait3A_70 = tpu.memref_squeeze %dma_wait3A_69 : memref<1x25x64xi32, #tpu.memory_space<hbm>> -> memref<25x64xi32, #tpu.memory_space<hbm>>
      %dma_wait3A_71 = arith.constant 0 : i32
      %dma_wait3A_72 = arith.constant 0 : i32
      %dma_wait3A_73 = tpu.memref_slice %arg5[%add3A, %dma_wait3A_71, %dma_wait3A_72] : memref<32x25x64xi32, #tpu.memory_space<hbm>> -> memref<1x25x64xi32, #tpu.memory_space<hbm>>
      %dma_wait3A_74 = tpu.memref_squeeze %dma_wait3A_73 : memref<1x25x64xi32, #tpu.memory_space<hbm>> -> memref<25x64xi32, #tpu.memory_space<hbm>>
      tpu.wait_dma2 semaphore(%run_scoped3A : memref<!tpu.dma_semaphore, #tpu.memory_space<semaphore_mem>>) src(%dma_wait3A_74 : memref<25x64xi32, #tpu.memory_space<hbm>>) dst(%arg13 : memref<25x64xi32, #tpu.memory_space<vmem>>)
      tpu.yield
    }) : () -> ()
    "tpu.region"() ({
      %run_scoped3A = tpu.sem_alloc : memref<!tpu.dma_semaphore, #tpu.memory_space<semaphore_mem>>
      %dma_start3A_59 = arith.constant 0 : i32
      %dma_start3A_60 = arith.constant 0 : i32
      %dma_start3A_61 = tpu.memref_slice %arg6[%add3A, %dma_start3A_59, %dma_start3A_60] : memref<32x5x64xi32, #tpu.memory_space<hbm>> -> memref<1x5x64xi32, #tpu.memory_space<hbm>>
      %dma_start3A_62 = tpu.memref_squeeze %dma_start3A_61 : memref<1x5x64xi32, #tpu.memory_space<hbm>> -> memref<5x64xi32, #tpu.memory_space<hbm>>
      %dma_start3A_63 = arith.constant 0 : i32
      %dma_start3A_64 = arith.constant 0 : i32
      %dma_start3A_65 = tpu.memref_slice %arg6[%add3A, %dma_start3A_63, %dma_start3A_64] : memref<32x5x64xi32, #tpu.memory_space<hbm>> -> memref<1x5x64xi32, #tpu.memory_space<hbm>>
      %dma_start3A_66 = tpu.memref_squeeze %dma_start3A_65 : memref<1x5x64xi32, #tpu.memory_space<hbm>> -> memref<5x64xi32, #tpu.memory_space<hbm>>
      tpu.enqueue_dma source(%dma_start3A_66 : memref<5x64xi32, #tpu.memory_space<hbm>>) target(%arg14 : memref<5x64xi32, #tpu.memory_space<vmem>>) target_semaphore(%run_scoped3A : memref<!tpu.dma_semaphore, #tpu.memory_space<semaphore_mem>>)
      %dma_wait3A_67 = arith.constant 0 : i32
      %dma_wait3A_68 = arith.constant 0 : i32
      %dma_wait3A_69 = tpu.memref_slice %arg6[%add3A, %dma_wait3A_67, %dma_wait3A_68] : memref<32x5x64xi32, #tpu.memory_space<hbm>> -> memref<1x5x64xi32, #tpu.memory_space<hbm>>
      %dma_wait3A_70 = tpu.memref_squeeze %dma_wait3A_69 : memref<1x5x64xi32, #tpu.memory_space<hbm>> -> memref<5x64xi32, #tpu.memory_space<hbm>>
      %dma_wait3A_71 = arith.constant 0 : i32
      %dma_wait3A_72 = arith.constant 0 : i32
      %dma_wait3A_73 = tpu.memref_slice %arg6[%add3A, %dma_wait3A_71, %dma_wait3A_72] : memref<32x5x64xi32, #tpu.memory_space<hbm>> -> memref<1x5x64xi32, #tpu.memory_space<hbm>>
      %dma_wait3A_74 = tpu.memref_squeeze %dma_wait3A_73 : memref<1x5x64xi32, #tpu.memory_space<hbm>> -> memref<5x64xi32, #tpu.memory_space<hbm>>
      tpu.wait_dma2 semaphore(%run_scoped3A : memref<!tpu.dma_semaphore, #tpu.memory_space<semaphore_mem>>) src(%dma_wait3A_74 : memref<5x64xi32, #tpu.memory_space<hbm>>) dst(%arg14 : memref<5x64xi32, #tpu.memory_space<vmem>>)
      tpu.yield
    }) : () -> ()
    %mul3A_1 = arith.constant 32 : i32
    %mul3A_2 = arith.muli %add3A, %mul3A_1 : i32
    %dma_start3A = arith.constant 0 : i32
    %dma_start3A_3 = arith.constant 0 : i32
    %dma_start3A_4 = tpu.memref_slice %arg2[%dma_start3A, %dma_start3A_3] : memref<1000000x128xf32, #tpu.memory_space<hbm>> -> memref<1000000x128xf32, #tpu.memory_space<hbm>>
    tpu.enqueue_indirect_dma source(%dma_start3A_4 : memref<1000000x128xf32, #tpu.memory_space<hbm>>) target(%arg15 : memref<32x128xf32, #tpu.memory_space<vmem>>) offsets(%arg11 : memref<32xi32, #tpu.memory_space<vmem>>) semaphore(%arg17 : memref<!tpu.dma_semaphore, #tpu.memory_space<semaphore_mem>>)
    %dma_wait3A = arith.constant 0 : i32
    %dma_wait3A_5 = arith.constant 0 : i32
    %dma_wait3A_6 = tpu.memref_slice %arg2[%dma_wait3A, %dma_wait3A_5] : memref<1000000x128xf32, #tpu.memory_space<hbm>> -> memref<1000000x128xf32, #tpu.memory_space<hbm>>
    tpu.wait_indirect_dma semaphore(%arg17 : memref<!tpu.dma_semaphore, #tpu.memory_space<semaphore_mem>>) src(%dma_wait3A_6 : memref<1000000x128xf32, #tpu.memory_space<hbm>>) dst(%arg15 : memref<32x128xf32, #tpu.memory_space<vmem>>)
    "tpu.region"() ({
      %run_scoped3A = tpu.sem_alloc : memref<!tpu.dma_semaphore, #tpu.memory_space<semaphore_mem>>
      %dma_start3A_59 = arith.constant 0 : i32
      %dma_start3A_60 = tpu.memref_slice %arg7[%mul3A_2, %dma_start3A_59] : memref<1024x128xf32, #tpu.memory_space<hbm>> -> memref<32x128xf32, #tpu.memory_space<hbm>>
      %dma_start3A_61 = arith.constant 0 : i32
      %dma_start3A_62 = tpu.memref_slice %arg7[%mul3A_2, %dma_start3A_61] : memref<1024x128xf32, #tpu.memory_space<hbm>> -> memref<32x128xf32, #tpu.memory_space<hbm>>
      tpu.enqueue_dma source(%arg15 : memref<32x128xf32, #tpu.memory_space<vmem>>) target(%dma_start3A_62 : memref<32x128xf32, #tpu.memory_space<hbm>>) target_semaphore(%run_scoped3A : memref<!tpu.dma_semaphore, #tpu.memory_space<semaphore_mem>>)
      %dma_wait3A_63 = arith.constant 0 : i32
      %dma_wait3A_64 = tpu.memref_slice %arg7[%mul3A_2, %dma_wait3A_63] : memref<1024x128xf32, #tpu.memory_space<hbm>> -> memref<32x128xf32, #tpu.memory_space<hbm>>
      %dma_wait3A_65 = arith.constant 0 : i32
      %dma_wait3A_66 = tpu.memref_slice %arg7[%mul3A_2, %dma_wait3A_65] : memref<1024x128xf32, #tpu.memory_space<hbm>> -> memref<32x128xf32, #tpu.memory_space<hbm>>
      tpu.wait_dma2 semaphore(%run_scoped3A : memref<!tpu.dma_semaphore, #tpu.memory_space<semaphore_mem>>) src(%arg15 : memref<32x128xf32, #tpu.memory_space<vmem>>) dst(%dma_wait3A_66 : memref<32x128xf32, #tpu.memory_space<hbm>>)
      tpu.yield
    }) : () -> ()
    %dma_start3A_7 = arith.constant 0 : i32
    %dma_start3A_8 = arith.constant 0 : i32
    %dma_start3A_9 = tpu.memref_slice %arg2[%dma_start3A_7, %dma_start3A_8] : memref<1000000x128xf32, #tpu.memory_space<hbm>> -> memref<1000000x128xf32, #tpu.memory_space<hbm>>
    tpu.enqueue_indirect_dma source(%dma_start3A_9 : memref<1000000x128xf32, #tpu.memory_space<hbm>>) target(%arg15 : memref<32x128xf32, #tpu.memory_space<vmem>>) offsets(%arg12 : memref<32xi32, #tpu.memory_space<vmem>>) semaphore(%arg17 : memref<!tpu.dma_semaphore, #tpu.memory_space<semaphore_mem>>)
    %dma_wait3A_10 = arith.constant 0 : i32
    %dma_wait3A_11 = arith.constant 0 : i32
    %dma_wait3A_12 = tpu.memref_slice %arg2[%dma_wait3A_10, %dma_wait3A_11] : memref<1000000x128xf32, #tpu.memory_space<hbm>> -> memref<1000000x128xf32, #tpu.memory_space<hbm>>
    tpu.wait_indirect_dma semaphore(%arg17 : memref<!tpu.dma_semaphore, #tpu.memory_space<semaphore_mem>>) src(%dma_wait3A_12 : memref<1000000x128xf32, #tpu.memory_space<hbm>>) dst(%arg15 : memref<32x128xf32, #tpu.memory_space<vmem>>)
    "tpu.region"() ({
      %run_scoped3A = tpu.sem_alloc : memref<!tpu.dma_semaphore, #tpu.memory_space<semaphore_mem>>
      %dma_start3A_59 = arith.constant 0 : i32
      %dma_start3A_60 = tpu.memref_slice %arg8[%mul3A_2, %dma_start3A_59] : memref<1024x128xf32, #tpu.memory_space<hbm>> -> memref<32x128xf32, #tpu.memory_space<hbm>>
      %dma_start3A_61 = arith.constant 0 : i32
      %dma_start3A_62 = tpu.memref_slice %arg8[%mul3A_2, %dma_start3A_61] : memref<1024x128xf32, #tpu.memory_space<hbm>> -> memref<32x128xf32, #tpu.memory_space<hbm>>
      tpu.enqueue_dma source(%arg15 : memref<32x128xf32, #tpu.memory_space<vmem>>) target(%dma_start3A_62 : memref<32x128xf32, #tpu.memory_space<hbm>>) target_semaphore(%run_scoped3A : memref<!tpu.dma_semaphore, #tpu.memory_space<semaphore_mem>>)
      %dma_wait3A_63 = arith.constant 0 : i32
      %dma_wait3A_64 = tpu.memref_slice %arg8[%mul3A_2, %dma_wait3A_63] : memref<1024x128xf32, #tpu.memory_space<hbm>> -> memref<32x128xf32, #tpu.memory_space<hbm>>
      %dma_wait3A_65 = arith.constant 0 : i32
      %dma_wait3A_66 = tpu.memref_slice %arg8[%mul3A_2, %dma_wait3A_65] : memref<1024x128xf32, #tpu.memory_space<hbm>> -> memref<32x128xf32, #tpu.memory_space<hbm>>
      tpu.wait_dma2 semaphore(%run_scoped3A : memref<!tpu.dma_semaphore, #tpu.memory_space<semaphore_mem>>) src(%arg15 : memref<32x128xf32, #tpu.memory_space<vmem>>) dst(%dma_wait3A_66 : memref<32x128xf32, #tpu.memory_space<hbm>>)
      tpu.yield
    }) : () -> ()
    %mul3A_13 = arith.constant 1600 : i32
    %mul3A_14 = arith.muli %add3A, %mul3A_13 : i32
    %dma_start3A_15 = arith.constant 0 : i32
    %dma_start3A_16 = arith.constant 0 : i32
    %dma_start3A_17 = arith.constant 0 : i32
    %dma_start3A_18 = arith.constant 0 : i32
    %dma_start3A_19 = arith.constant 0 : i32
    %dma_start3A_20 = tpu.memref_slice %arg16[%dma_start3A_16, %dma_start3A_18, %dma_start3A_19] : memref<2x64x128xf32, #tpu.memory_space<vmem>> -> memref<1x64x128xf32, #tpu.memory_space<vmem>>
    %dma_start3A_21 = tpu.memref_squeeze %dma_start3A_20 : memref<1x64x128xf32, #tpu.memory_space<vmem>> -> memref<64x128xf32, #tpu.memory_space<vmem>>
    %dma_start3A_22 = arith.constant 0 : i32
    %dma_start3A_23 = tpu.memref_slice %arg13[%dma_start3A_15, %dma_start3A_22] : memref<25x64xi32, #tpu.memory_space<vmem>> -> memref<1x64xi32, #tpu.memory_space<vmem>>
    %dma_start3A_24 = tpu.memref_squeeze %dma_start3A_23 : memref<1x64xi32, #tpu.memory_space<vmem>> -> memref<64xi32, #tpu.memory_space<vmem>>
    %dma_start3A_25 = arith.constant 0 : i32
    %dma_start3A_26 = arith.constant 0 : i32
    %dma_start3A_27 = tpu.memref_slice %arg2[%dma_start3A_25, %dma_start3A_26] : memref<1000000x128xf32, #tpu.memory_space<hbm>> -> memref<1000000x128xf32, #tpu.memory_space<hbm>>
    %dma_start3A_28 = tpu.memref_slice %arg18[%dma_start3A_17] : memref<2x!tpu.dma_semaphore, #tpu.memory_space<semaphore_mem>> -> memref<1x!tpu.dma_semaphore, #tpu.memory_space<semaphore_mem>>
    %dma_start3A_29 = tpu.memref_squeeze %dma_start3A_28 : memref<1x!tpu.dma_semaphore, #tpu.memory_space<semaphore_mem>> -> memref<!tpu.dma_semaphore, #tpu.memory_space<semaphore_mem>>
    tpu.enqueue_indirect_dma source(%dma_start3A_27 : memref<1000000x128xf32, #tpu.memory_space<hbm>>) target(%dma_start3A_21 : memref<64x128xf32, #tpu.memory_space<vmem>>) offsets(%dma_start3A_24 : memref<64xi32, #tpu.memory_space<vmem>>) semaphore(%dma_start3A_29 : memref<!tpu.dma_semaphore, #tpu.memory_space<semaphore_mem>>)
    %scan3A = arith.constant 0 : i32
    %scan3A_30 = arith.constant 0 : i32
    %scan3A_31 = arith.constant 25 : i32
    %scan3A_32 = arith.addi %scan3A_30, %scan3A_31 : i32
    %scan3A_33 = arith.constant 1 : i32
    scf.for %scan3A_59 = %scan3A_30 to %scan3A_32 step %scan3A_33  : i32 {
      %jit3A = arith.constant 2 : i32
      %eq3A = arith.constant 0 : i32
      %eq3A_60 = arith.cmpi eq, %jit3A, %eq3A : i32
      %jit3A_61 = arith.constant 1 : i32
      %select_n3A = arith.select %eq3A_60, %jit3A_61, %jit3A : i32
      %rem3A = arith.remsi %scan3A_59, %select_n3A : i32
      %ne3A = arith.constant 0 : i32
      %ne3A_62 = arith.cmpi ne, %rem3A, %ne3A : i32
      %lt3A = arith.constant 0 : i32
      %lt3A_63 = arith.cmpi slt, %rem3A, %lt3A : i32
      %lt3A_64 = arith.constant 0 : i32
      %lt3A_65 = arith.cmpi slt, %select_n3A, %lt3A_64 : i32
      %ne3A_66 = arith.xori %lt3A_63, %lt3A_65 : i1
      %and3A = arith.andi %ne3A_66, %ne3A_62 : i1
      %add3A_67 = arith.addi %rem3A, %select_n3A : i32
      %select_n3A_68 = arith.select %and3A, %add3A_67, %rem3A : i32
      %add3A_69 = arith.constant 1 : i32
      %add3A_70 = arith.addi %scan3A_59, %add3A_69 : i32
      %jit3A_71 = arith.constant 2 : i32
      %eq3A_72 = arith.constant 0 : i32
      %eq3A_73 = arith.cmpi eq, %jit3A_71, %eq3A_72 : i32
      %jit3A_74 = arith.constant 1 : i32
      %select_n3A_75 = arith.select %eq3A_73, %jit3A_74, %jit3A_71 : i32
      %rem3A_76 = arith.remsi %add3A_70, %select_n3A_75 : i32
      %ne3A_77 = arith.constant 0 : i32
      %ne3A_78 = arith.cmpi ne, %rem3A_76, %ne3A_77 : i32
      %lt3A_79 = arith.constant 0 : i32
      %lt3A_80 = arith.cmpi slt, %rem3A_76, %lt3A_79 : i32
      %lt3A_81 = arith.constant 0 : i32
      %lt3A_82 = arith.cmpi slt, %select_n3A_75, %lt3A_81 : i32
      %ne3A_83 = arith.xori %lt3A_80, %lt3A_82 : i1
      %and3A_84 = arith.andi %ne3A_83, %ne3A_78 : i1
      %add3A_85 = arith.addi %rem3A_76, %select_n3A_75 : i32
      %select_n3A_86 = arith.select %and3A_84, %add3A_85, %rem3A_76 : i32
      %dma_wait3A_87 = arith.constant 0 : i32
      %dma_wait3A_88 = arith.constant 0 : i32
      %dma_wait3A_89 = tpu.memref_slice %arg16[%select_n3A_68, %dma_wait3A_87, %dma_wait3A_88] : memref<2x64x128xf32, #tpu.memory_space<vmem>> -> memref<1x64x128xf32, #tpu.memory_space<vmem>>
      %dma_wait3A_90 = tpu.memref_squeeze %dma_wait3A_89 : memref<1x64x128xf32, #tpu.memory_space<vmem>> -> memref<64x128xf32, #tpu.memory_space<vmem>>
      %dma_wait3A_91 = arith.constant 0 : i32
      %dma_wait3A_92 = tpu.memref_slice %arg13[%scan3A_59, %dma_wait3A_91] : memref<25x64xi32, #tpu.memory_space<vmem>> -> memref<1x64xi32, #tpu.memory_space<vmem>>
      %dma_wait3A_93 = tpu.memref_squeeze %dma_wait3A_92 : memref<1x64xi32, #tpu.memory_space<vmem>> -> memref<64xi32, #tpu.memory_space<vmem>>
      %dma_wait3A_94 = arith.constant 0 : i32
      %dma_wait3A_95 = arith.constant 0 : i32
      %dma_wait3A_96 = tpu.memref_slice %arg2[%dma_wait3A_94, %dma_wait3A_95] : memref<1000000x128xf32, #tpu.memory_space<hbm>> -> memref<1000000x128xf32, #tpu.memory_space<hbm>>
      %dma_wait3A_97 = tpu.memref_slice %arg18[%select_n3A_68] : memref<2x!tpu.dma_semaphore, #tpu.memory_space<semaphore_mem>> -> memref<1x!tpu.dma_semaphore, #tpu.memory_space<semaphore_mem>>
      %dma_wait3A_98 = tpu.memref_squeeze %dma_wait3A_97 : memref<1x!tpu.dma_semaphore, #tpu.memory_space<semaphore_mem>> -> memref<!tpu.dma_semaphore, #tpu.memory_space<semaphore_mem>>
      tpu.wait_indirect_dma semaphore(%dma_wait3A_98 : memref<!tpu.dma_semaphore, #tpu.memory_space<semaphore_mem>>) src(%dma_wait3A_96 : memref<1000000x128xf32, #tpu.memory_space<hbm>>) dst(%dma_wait3A_90 : memref<64x128xf32, #tpu.memory_space<vmem>>)
      %ge3A = arith.constant 1 : i32
      %ge3A_99 = arith.cmpi sge, %scan3A_59, %ge3A : i32
      %convert_element_type3A = arith.extui %ge3A_99 : i1 to i32
      %cond3A = arith.constant 0 : i32
      %cond3A_100 = arith.cmpi ne, %convert_element_type3A, %cond3A : i32
      scf.if %cond3A_100 {
        %dma_wait3A_125 = arith.constant 0 : i32
        %dma_wait3A_126 = arith.constant 0 : i32
        %dma_wait3A_127 = tpu.memref_slice %arg16[%select_n3A_86, %dma_wait3A_125, %dma_wait3A_126] : memref<2x64x128xf32, #tpu.memory_space<vmem>> -> memref<1x64x128xf32, #tpu.memory_space<vmem>>
        %dma_wait3A_128 = tpu.memref_squeeze %dma_wait3A_127 : memref<1x64x128xf32, #tpu.memory_space<vmem>> -> memref<64x128xf32, #tpu.memory_space<vmem>>
        %dma_wait3A_129 = arith.constant 0 : i32
        %dma_wait3A_130 = tpu.memref_slice %arg9[%mul3A_14, %dma_wait3A_129] : memref<51200x128xf32, #tpu.memory_space<hbm>> -> memref<64x128xf32, #tpu.memory_space<hbm>>
        %dma_wait3A_131 = tpu.memref_slice %arg19[%select_n3A_86] : memref<2x!tpu.dma_semaphore, #tpu.memory_space<semaphore_mem>> -> memref<1x!tpu.dma_semaphore, #tpu.memory_space<semaphore_mem>>
        %dma_wait3A_132 = tpu.memref_squeeze %dma_wait3A_131 : memref<1x!tpu.dma_semaphore, #tpu.memory_space<semaphore_mem>> -> memref<!tpu.dma_semaphore, #tpu.memory_space<semaphore_mem>>
        %dma_wait3A_133 = arith.constant 0 : i32
        %dma_wait3A_134 = tpu.memref_slice %arg9[%mul3A_14, %dma_wait3A_133] : memref<51200x128xf32, #tpu.memory_space<hbm>> -> memref<64x128xf32, #tpu.memory_space<hbm>>
        %dma_wait3A_135 = arith.constant 0 : i32
        %dma_wait3A_136 = arith.constant 0 : i32
        %dma_wait3A_137 = tpu.memref_slice %arg16[%select_n3A_86, %dma_wait3A_135, %dma_wait3A_136] : memref<2x64x128xf32, #tpu.memory_space<vmem>> -> memref<1x64x128xf32, #tpu.memory_space<vmem>>
        %dma_wait3A_138 = tpu.memref_squeeze %dma_wait3A_137 : memref<1x64x128xf32, #tpu.memory_space<vmem>> -> memref<64x128xf32, #tpu.memory_space<vmem>>
        tpu.wait_dma2 semaphore(%dma_wait3A_132 : memref<!tpu.dma_semaphore, #tpu.memory_space<semaphore_mem>>) src(%dma_wait3A_138 : memref<64x128xf32, #tpu.memory_space<vmem>>) dst(%dma_wait3A_134 : memref<64x128xf32, #tpu.memory_space<hbm>>)
      } else {
      }
      %add3A_101 = arith.constant 1 : i32
      %add3A_102 = arith.addi %scan3A_59, %add3A_101 : i32
      %lt3A_103 = arith.constant 25 : i32
      %lt3A_104 = arith.cmpi slt, %add3A_102, %lt3A_103 : i32
      %convert_element_type3A_105 = arith.extui %lt3A_104 : i1 to i32
      %cond3A_106 = arith.constant 0 : i32
      %cond3A_107 = arith.cmpi ne, %convert_element_type3A_105, %cond3A_106 : i32
      scf.if %cond3A_107 {
        %add3A_125 = arith.constant 1 : i32
        %add3A_126 = arith.addi %scan3A_59, %add3A_125 : i32
        %dma_start3A_127 = arith.constant 0 : i32
        %dma_start3A_128 = arith.constant 0 : i32
        %dma_start3A_129 = tpu.memref_slice %arg16[%select_n3A_86, %dma_start3A_127, %dma_start3A_128] : memref<2x64x128xf32, #tpu.memory_space<vmem>> -> memref<1x64x128xf32, #tpu.memory_space<vmem>>
        %dma_start3A_130 = tpu.memref_squeeze %dma_start3A_129 : memref<1x64x128xf32, #tpu.memory_space<vmem>> -> memref<64x128xf32, #tpu.memory_space<vmem>>
        %dma_start3A_131 = arith.constant 0 : i32
        %dma_start3A_132 = tpu.memref_slice %arg13[%add3A_126, %dma_start3A_131] : memref<25x64xi32, #tpu.memory_space<vmem>> -> memref<1x64xi32, #tpu.memory_space<vmem>>
        %dma_start3A_133 = tpu.memref_squeeze %dma_start3A_132 : memref<1x64xi32, #tpu.memory_space<vmem>> -> memref<64xi32, #tpu.memory_space<vmem>>
        %dma_start3A_134 = arith.constant 0 : i32
        %dma_start3A_135 = arith.constant 0 : i32
        %dma_start3A_136 = tpu.memref_slice %arg2[%dma_start3A_134, %dma_start3A_135] : memref<1000000x128xf32, #tpu.memory_space<hbm>> -> memref<1000000x128xf32, #tpu.memory_space<hbm>>
        %dma_start3A_137 = tpu.memref_slice %arg18[%select_n3A_86] : memref<2x!tpu.dma_semaphore, #tpu.memory_space<semaphore_mem>> -> memref<1x!tpu.dma_semaphore, #tpu.memory_space<semaphore_mem>>
        %dma_start3A_138 = tpu.memref_squeeze %dma_start3A_137 : memref<1x!tpu.dma_semaphore, #tpu.memory_space<semaphore_mem>> -> memref<!tpu.dma_semaphore, #tpu.memory_space<semaphore_mem>>
        tpu.enqueue_indirect_dma source(%dma_start3A_136 : memref<1000000x128xf32, #tpu.memory_space<hbm>>) target(%dma_start3A_130 : memref<64x128xf32, #tpu.memory_space<vmem>>) offsets(%dma_start3A_133 : memref<64xi32, #tpu.memory_space<vmem>>) semaphore(%dma_start3A_138 : memref<!tpu.dma_semaphore, #tpu.memory_space<semaphore_mem>>)
      } else {
      }
      %mul3A_108 = arith.constant 64 : i32
      %mul3A_109 = arith.muli %scan3A_59, %mul3A_108 : i32
      %add3A_110 = arith.addi %mul3A_14, %mul3A_109 : i32
      %dma_start3A_111 = arith.constant 0 : i32
      %dma_start3A_112 = arith.constant 0 : i32
      %dma_start3A_113 = tpu.memref_slice %arg16[%select_n3A_68, %dma_start3A_111, %dma_start3A_112] : memref<2x64x128xf32, #tpu.memory_space<vmem>> -> memref<1x64x128xf32, #tpu.memory_space<vmem>>
      %dma_start3A_114 = tpu.memref_squeeze %dma_start3A_113 : memref<1x64x128xf32, #tpu.memory_space<vmem>> -> memref<64x128xf32, #tpu.memory_space<vmem>>
      %dma_start3A_115 = arith.constant 0 : i32
      %dma_start3A_116 = tpu.memref_slice %arg9[%add3A_110, %dma_start3A_115] : memref<51200x128xf32, #tpu.memory_space<hbm>> -> memref<64x128xf32, #tpu.memory_space<hbm>>
      %dma_start3A_117 = tpu.memref_slice %arg19[%select_n3A_68] : memref<2x!tpu.dma_semaphore, #tpu.memory_space<semaphore_mem>> -> memref<1x!tpu.dma_semaphore, #tpu.memory_space<semaphore_mem>>
      %dma_start3A_118 = tpu.memref_squeeze %dma_start3A_117 : memref<1x!tpu.dma_semaphore, #tpu.memory_space<semaphore_mem>> -> memref<!tpu.dma_semaphore, #tpu.memory_space<semaphore_mem>>
      %dma_start3A_119 = arith.constant 0 : i32
      %dma_start3A_120 = tpu.memref_slice %arg9[%add3A_110, %dma_start3A_119] : memref<51200x128xf32, #tpu.memory_space<hbm>> -> memref<64x128xf32, #tpu.memory_space<hbm>>
      %dma_start3A_121 = arith.constant 0 : i32
      %dma_start3A_122 = arith.constant 0 : i32
      %dma_start3A_123 = tpu.memref_slice %arg16[%select_n3A_68, %dma_start3A_121, %dma_start3A_122] : memref<2x64x128xf32, #tpu.memory_space<vmem>> -> memref<1x64x128xf32, #tpu.memory_space<vmem>>
      %dma_start3A_124 = tpu.memref_squeeze %dma_start3A_123 : memref<1x64x128xf32, #tpu.memory_space<vmem>> -> memref<64x128xf32, #tpu.memory_space<vmem>>
      tpu.enqueue_dma source(%dma_start3A_124 : memref<64x128xf32, #tpu.memory_space<vmem>>) target(%dma_start3A_120 : memref<64x128xf32, #tpu.memory_space<hbm>>) target_semaphore(%dma_start3A_118 : memref<!tpu.dma_semaphore, #tpu.memory_space<semaphore_mem>>)
    }
    %scan3A_34 = arith.constant 25 : i32
    %dma_wait3A_35 = arith.constant 0 : i32
    %dma_wait3A_36 = arith.constant 0 : i32
    %dma_wait3A_37 = arith.constant 0 : i32
    %dma_wait3A_38 = arith.constant 0 : i32
    %dma_wait3A_39 = tpu.memref_slice %arg16[%dma_wait3A_35, %dma_wait3A_37, %dma_wait3A_38] : memref<2x64x128xf32, #tpu.memory_space<vmem>> -> memref<1x64x128xf32, #tpu.memory_space<vmem>>
    %dma_wait3A_40 = tpu.memref_squeeze %dma_wait3A_39 : memref<1x64x128xf32, #tpu.memory_space<vmem>> -> memref<64x128xf32, #tpu.memory_space<vmem>>
    %dma_wait3A_41 = arith.constant 0 : i32
    %dma_wait3A_42 = tpu.memref_slice %arg9[%mul3A_14, %dma_wait3A_41] : memref<51200x128xf32, #tpu.memory_space<hbm>> -> memref<64x128xf32, #tpu.memory_space<hbm>>
    %dma_wait3A_43 = tpu.memref_slice %arg19[%dma_wait3A_36] : memref<2x!tpu.dma_semaphore, #tpu.memory_space<semaphore_mem>> -> memref<1x!tpu.dma_semaphore, #tpu.memory_space<semaphore_mem>>
    %dma_wait3A_44 = tpu.memref_squeeze %dma_wait3A_43 : memref<1x!tpu.dma_semaphore, #tpu.memory_space<semaphore_mem>> -> memref<!tpu.dma_semaphore, #tpu.memory_space<semaphore_mem>>
    %dma_wait3A_45 = arith.constant 0 : i32
    %dma_wait3A_46 = tpu.memref_slice %arg9[%mul3A_14, %dma_wait3A_45] : memref<51200x128xf32, #tpu.memory_space<hbm>> -> memref<64x128xf32, #tpu.memory_space<hbm>>
    %dma_wait3A_47 = arith.constant 0 : i32
    %dma_wait3A_48 = arith.constant 0 : i32
    %dma_wait3A_49 = tpu.memref_slice %arg16[%dma_wait3A_35, %dma_wait3A_47, %dma_wait3A_48] : memref<2x64x128xf32, #tpu.memory_space<vmem>> -> memref<1x64x128xf32, #tpu.memory_space<vmem>>
    %dma_wait3A_50 = tpu.memref_squeeze %dma_wait3A_49 : memref<1x64x128xf32, #tpu.memory_space<vmem>> -> memref<64x128xf32, #tpu.memory_space<vmem>>
    tpu.wait_dma2 semaphore(%dma_wait3A_44 : memref<!tpu.dma_semaphore, #tpu.memory_space<semaphore_mem>>) src(%dma_wait3A_50 : memref<64x128xf32, #tpu.memory_space<vmem>>) dst(%dma_wait3A_46 : memref<64x128xf32, #tpu.memory_space<hbm>>)
    %mul3A_51 = arith.constant 320 : i32
    %mul3A_52 = arith.muli %add3A, %mul3A_51 : i32
    %scan3A_53 = arith.constant 0 : i32
    %scan3A_54 = arith.constant 0 : i32
    %scan3A_55 = arith.constant 5 : i32
    %scan3A_56 = arith.addi %scan3A_54, %scan3A_55 : i32
    %scan3A_57 = arith.constant 1 : i32
    scf.for %scan3A_59 = %scan3A_54 to %scan3A_56 step %scan3A_57  : i32 {
      %dma_start3A_60 = arith.constant 0 : i32
      %dma_start3A_61 = arith.constant 0 : i32
      %dma_start3A_62 = arith.constant 0 : i32
      %dma_start3A_63 = tpu.memref_slice %arg16[%dma_start3A_60, %dma_start3A_61, %dma_start3A_62] : memref<2x64x128xf32, #tpu.memory_space<vmem>> -> memref<1x64x128xf32, #tpu.memory_space<vmem>>
      %dma_start3A_64 = tpu.memref_squeeze %dma_start3A_63 : memref<1x64x128xf32, #tpu.memory_space<vmem>> -> memref<64x128xf32, #tpu.memory_space<vmem>>
      %dma_start3A_65 = arith.constant 0 : i32
      %dma_start3A_66 = tpu.memref_slice %arg14[%scan3A_59, %dma_start3A_65] : memref<5x64xi32, #tpu.memory_space<vmem>> -> memref<1x64xi32, #tpu.memory_space<vmem>>
      %dma_start3A_67 = tpu.memref_squeeze %dma_start3A_66 : memref<1x64xi32, #tpu.memory_space<vmem>> -> memref<64xi32, #tpu.memory_space<vmem>>
      %dma_start3A_68 = arith.constant 0 : i32
      %dma_start3A_69 = arith.constant 0 : i32
      %dma_start3A_70 = tpu.memref_slice %arg2[%dma_start3A_68, %dma_start3A_69] : memref<1000000x128xf32, #tpu.memory_space<hbm>> -> memref<1000000x128xf32, #tpu.memory_space<hbm>>
      tpu.enqueue_indirect_dma source(%dma_start3A_70 : memref<1000000x128xf32, #tpu.memory_space<hbm>>) target(%dma_start3A_64 : memref<64x128xf32, #tpu.memory_space<vmem>>) offsets(%dma_start3A_67 : memref<64xi32, #tpu.memory_space<vmem>>) semaphore(%arg17 : memref<!tpu.dma_semaphore, #tpu.memory_space<semaphore_mem>>)
      %dma_wait3A_71 = arith.constant 0 : i32
      %dma_wait3A_72 = arith.constant 0 : i32
      %dma_wait3A_73 = arith.constant 0 : i32
      %dma_wait3A_74 = tpu.memref_slice %arg16[%dma_wait3A_71, %dma_wait3A_72, %dma_wait3A_73] : memref<2x64x128xf32, #tpu.memory_space<vmem>> -> memref<1x64x128xf32, #tpu.memory_space<vmem>>
      %dma_wait3A_75 = tpu.memref_squeeze %dma_wait3A_74 : memref<1x64x128xf32, #tpu.memory_space<vmem>> -> memref<64x128xf32, #tpu.memory_space<vmem>>
      %dma_wait3A_76 = arith.constant 0 : i32
      %dma_wait3A_77 = tpu.memref_slice %arg14[%scan3A_59, %dma_wait3A_76] : memref<5x64xi32, #tpu.memory_space<vmem>> -> memref<1x64xi32, #tpu.memory_space<vmem>>
      %dma_wait3A_78 = tpu.memref_squeeze %dma_wait3A_77 : memref<1x64xi32, #tpu.memory_space<vmem>> -> memref<64xi32, #tpu.memory_space<vmem>>
      %dma_wait3A_79 = arith.constant 0 : i32
      %dma_wait3A_80 = arith.constant 0 : i32
      %dma_wait3A_81 = tpu.memref_slice %arg2[%dma_wait3A_79, %dma_wait3A_80] : memref<1000000x128xf32, #tpu.memory_space<hbm>> -> memref<1000000x128xf32, #tpu.memory_space<hbm>>
      tpu.wait_indirect_dma semaphore(%arg17 : memref<!tpu.dma_semaphore, #tpu.memory_space<semaphore_mem>>) src(%dma_wait3A_81 : memref<1000000x128xf32, #tpu.memory_space<hbm>>) dst(%dma_wait3A_75 : memref<64x128xf32, #tpu.memory_space<vmem>>)
      %mul3A_82 = arith.constant 64 : i32
      %mul3A_83 = arith.muli %scan3A_59, %mul3A_82 : i32
      %add3A_84 = arith.addi %mul3A_52, %mul3A_83 : i32
      %run_scoped3A = arith.constant 0 : i32
      "tpu.region"() ({
        %run_scoped3A_85 = tpu.sem_alloc : memref<!tpu.dma_semaphore, #tpu.memory_space<semaphore_mem>>
        %dma_start3A_86 = arith.constant 0 : i32
        %dma_start3A_87 = arith.constant 0 : i32
        %dma_start3A_88 = tpu.memref_slice %arg16[%run_scoped3A, %dma_start3A_86, %dma_start3A_87] : memref<2x64x128xf32, #tpu.memory_space<vmem>> -> memref<1x64x128xf32, #tpu.memory_space<vmem>>
        %dma_start3A_89 = tpu.memref_squeeze %dma_start3A_88 : memref<1x64x128xf32, #tpu.memory_space<vmem>> -> memref<64x128xf32, #tpu.memory_space<vmem>>
        %dma_start3A_90 = arith.constant 0 : i32
        %dma_start3A_91 = tpu.memref_slice %arg10[%add3A_84, %dma_start3A_90] : memref<10240x128xf32, #tpu.memory_space<hbm>> -> memref<64x128xf32, #tpu.memory_space<hbm>>
        %dma_start3A_92 = arith.constant 0 : i32
        %dma_start3A_93 = tpu.memref_slice %arg10[%add3A_84, %dma_start3A_92] : memref<10240x128xf32, #tpu.memory_space<hbm>> -> memref<64x128xf32, #tpu.memory_space<hbm>>
        %dma_start3A_94 = arith.constant 0 : i32
        %dma_start3A_95 = arith.constant 0 : i32
        %dma_start3A_96 = tpu.memref_slice %arg16[%run_scoped3A, %dma_start3A_94, %dma_start3A_95] : memref<2x64x128xf32, #tpu.memory_space<vmem>> -> memref<1x64x128xf32, #tpu.memory_space<vmem>>
        %dma_start3A_97 = tpu.memref_squeeze %dma_start3A_96 : memref<1x64x128xf32, #tpu.memory_space<vmem>> -> memref<64x128xf32, #tpu.memory_space<vmem>>
        tpu.enqueue_dma source(%dma_start3A_97 : memref<64x128xf32, #tpu.memory_space<vmem>>) target(%dma_start3A_93 : memref<64x128xf32, #tpu.memory_space<hbm>>) target_semaphore(%run_scoped3A_85 : memref<!tpu.dma_semaphore, #tpu.memory_space<semaphore_mem>>)
        %dma_wait3A_98 = arith.constant 0 : i32
        %dma_wait3A_99 = arith.constant 0 : i32
        %dma_wait3A_100 = tpu.memref_slice %arg16[%run_scoped3A, %dma_wait3A_98, %dma_wait3A_99] : memref<2x64x128xf32, #tpu.memory_space<vmem>> -> memref<1x64x128xf32, #tpu.memory_space<vmem>>
        %dma_wait3A_101 = tpu.memref_squeeze %dma_wait3A_100 : memref<1x64x128xf32, #tpu.memory_space<vmem>> -> memref<64x128xf32, #tpu.memory_space<vmem>>
        %dma_wait3A_102 = arith.constant 0 : i32
        %dma_wait3A_103 = tpu.memref_slice %arg10[%add3A_84, %dma_wait3A_102] : memref<10240x128xf32, #tpu.memory_space<hbm>> -> memref<64x128xf32, #tpu.memory_space<hbm>>
        %dma_wait3A_104 = arith.constant 0 : i32
        %dma_wait3A_105 = tpu.memref_slice %arg10[%add3A_84, %dma_wait3A_104] : memref<10240x128xf32, #tpu.memory_space<hbm>> -> memref<64x128xf32, #tpu.memory_space<hbm>>
        %dma_wait3A_106 = arith.constant 0 : i32
        %dma_wait3A_107 = arith.constant 0 : i32
        %dma_wait3A_108 = tpu.memref_slice %arg16[%run_scoped3A, %dma_wait3A_106, %dma_wait3A_107] : memref<2x64x128xf32, #tpu.memory_space<vmem>> -> memref<1x64x128xf32, #tpu.memory_space<vmem>>
        %dma_wait3A_109 = tpu.memref_squeeze %dma_wait3A_108 : memref<1x64x128xf32, #tpu.memory_space<vmem>> -> memref<64x128xf32, #tpu.memory_space<vmem>>
        tpu.wait_dma2 semaphore(%run_scoped3A_85 : memref<!tpu.dma_semaphore, #tpu.memory_space<semaphore_mem>>) src(%dma_wait3A_109 : memref<64x128xf32, #tpu.memory_space<vmem>>) dst(%dma_wait3A_105 : memref<64x128xf32, #tpu.memory_space<hbm>>)
        tpu.yield
      }) : () -> ()
    }
    %scan3A_58 = arith.constant 5 : i32
    return
  }
}

module attributes {stable_mosaic.version = 14 : i64} {
  func.func @_tc_body(%arg0: i32, %arg1: memref<128x128xf32, #tpu.memory_space<vmem>>, %arg2: memref<128x128xf32, #tpu.memory_space<vmem>>, %arg3: memref<6400x128xf32, #tpu.memory_space<vmem>>, %arg4: memref<1280x128xf32, #tpu.memory_space<vmem>>, %arg5: memref<128x1xf32, #tpu.memory_space<vmem>>, %arg6: memref<128x1xf32, #tpu.memory_space<vmem>>, %arg7: memref<128x50xf32, #tpu.memory_space<vmem>>, %arg8: memref<128x50xf32, #tpu.memory_space<vmem>>, %arg9: memref<8x128xf32, #tpu.memory_space<vmem>>) attributes {dimension_semantics = [#tpu.dimension_semantics<arbitrary>], iteration_bounds = array<i64: 8>, scalar_prefetch = 0 : i64, scratch_operands = 0 : i64, tpu.core_type = #tpu.core_type<tc>, window_params = [{transform_indices = @transform_0, window_bounds = array<i64: 128, 128>}, {transform_indices = @transform_1, window_bounds = array<i64: 128, 128>}, {transform_indices = @transform_2, window_bounds = array<i64: 6400, 128>}, {transform_indices = @transform_3, window_bounds = array<i64: 1280, 128>}, {transform_indices = @transform_4, window_bounds = array<i64: 128, 1>}, {transform_indices = @transform_5, window_bounds = array<i64: 128, 1>}, {transform_indices = @transform_6, window_bounds = array<i64: 128, 50>}, {transform_indices = @transform_7, window_bounds = array<i64: 128, 50>}, {pipeline_mode = #tpu.pipeline_mode<synchronous>, transform_indices = @transform_8, window_bounds = array<i64: 8, 128>}]} {
    %get3A = arith.constant 0 : index
    %get3A_0 = arith.constant 0 : index
    %get3A_1 = vector.load %arg1[%get3A, %get3A_0] : memref<128x128xf32, #tpu.memory_space<vmem>>, vector<128x128xf32>
    %get3A_2 = arith.constant 0 : index
    %get3A_3 = arith.constant 0 : index
    %get3A_4 = vector.load %arg2[%get3A_2, %get3A_3] : memref<128x128xf32, #tpu.memory_space<vmem>>, vector<128x128xf32>
    %get3A_5 = arith.constant 0 : index
    %get3A_6 = arith.constant 0 : index
    %get3A_7 = vector.load %arg3[%get3A_5, %get3A_6] : memref<6400x128xf32, #tpu.memory_space<vmem>>, vector<6400x128xf32>
    %reshape3A = vector.shape_cast %get3A_7 : vector<6400x128xf32> to vector<128x50x128xf32>
    %get3A_8 = arith.constant 0 : index
    %get3A_9 = arith.constant 0 : index
    %get3A_10 = vector.load %arg4[%get3A_8, %get3A_9] : memref<1280x128xf32, #tpu.memory_space<vmem>>, vector<1280x128xf32>
    %reshape3A_11 = vector.shape_cast %get3A_10 : vector<1280x128xf32> to vector<128x10x128xf32>
    %get3A_12 = arith.constant 0 : index
    %get3A_13 = arith.constant 0 : index
    %get3A_14 = vector.load %arg5[%get3A_12, %get3A_13] : memref<128x1xf32, #tpu.memory_space<vmem>>, vector<128x1xf32>
    %get3A_15 = arith.constant 0 : index
    %get3A_16 = arith.constant 0 : index
    %get3A_17 = vector.load %arg6[%get3A_15, %get3A_16] : memref<128x1xf32, #tpu.memory_space<vmem>>, vector<128x1xf32>
    %get3A_18 = arith.constant 0 : index
    %get3A_19 = arith.constant 0 : index
    %get3A_20 = vector.load %arg7[%get3A_18, %get3A_19] : memref<128x50xf32, #tpu.memory_space<vmem>>, vector<128x50xf32>
    %get3A_21 = arith.constant 0 : index
    %get3A_22 = arith.constant 0 : index
    %get3A_23 = vector.load %arg8[%get3A_21, %get3A_22] : memref<128x50xf32, #tpu.memory_space<vmem>>, vector<128x50xf32>
    %sub3A = vector.broadcast %get3A_17 : vector<128x1xf32> to vector<128x50xf32>
    %sub3A_24 = arith.subf %sub3A, %get3A_20 : vector<128x50xf32>
    %abs3A = math.absf %sub3A_24 : vector<128x50xf32>
    %mul3A = vector.broadcast %get3A_14 : vector<128x1xf32> to vector<128x50xf32>
    %mul3A_25 = arith.mulf %mul3A, %abs3A : vector<128x50xf32>
    %exp3A = math.exp %mul3A_25 : vector<128x50xf32>
    %broadcast_in_dim3A = vector.shape_cast %get3A_1 : vector<128x128xf32> to vector<128x1x128xf32>
    %broadcast_in_dim3A_26 = vector.shape_cast %get3A_4 : vector<128x128xf32> to vector<128x1x128xf32>
    %mul3A_27 = arith.mulf %get3A_1, %get3A_1 : vector<128x128xf32>
    %reduce_sum3A = arith.constant dense<0.000000e+00> : vector<128xf32>
    %reduce_sum3A_28 = vector.multi_reduction <add>, %mul3A_27, %reduce_sum3A [1] : vector<128x128xf32> to vector<128xf32>
    %broadcast_in_dim3A_29 = vector.shape_cast %reduce_sum3A_28 : vector<128xf32> to vector<128x1xf32>
    %mul3A_30 = arith.mulf %get3A_4, %get3A_4 : vector<128x128xf32>
    %reduce_sum3A_31 = arith.constant dense<0.000000e+00> : vector<128xf32>
    %reduce_sum3A_32 = vector.multi_reduction <add>, %mul3A_30, %reduce_sum3A_31 [1] : vector<128x128xf32> to vector<128xf32>
    %broadcast_in_dim3A_33 = vector.shape_cast %reduce_sum3A_32 : vector<128xf32> to vector<128x1xf32>
    %mul3A_34 = arith.mulf %get3A_1, %get3A_4 : vector<128x128xf32>
    %reduce_sum3A_35 = arith.constant dense<0.000000e+00> : vector<128xf32>
    %reduce_sum3A_36 = vector.multi_reduction <add>, %mul3A_34, %reduce_sum3A_35 [1] : vector<128x128xf32> to vector<128xf32>
    %broadcast_in_dim3A_37 = vector.shape_cast %reduce_sum3A_36 : vector<128xf32> to vector<128x1xf32>
    %mul3A_38 = vector.broadcast %broadcast_in_dim3A : vector<128x1x128xf32> to vector<128x50x128xf32>
    %mul3A_39 = arith.mulf %mul3A_38, %reshape3A : vector<128x50x128xf32>
    %reduce_sum3A_40 = arith.constant dense<0.000000e+00> : vector<128x50xf32>
    %reduce_sum3A_41 = vector.multi_reduction <add>, %mul3A_39, %reduce_sum3A_40 [2] : vector<128x50x128xf32> to vector<128x50xf32>
    %mul3A_42 = vector.broadcast %broadcast_in_dim3A_26 : vector<128x1x128xf32> to vector<128x50x128xf32>
    %mul3A_43 = arith.mulf %mul3A_42, %reshape3A : vector<128x50x128xf32>
    %reduce_sum3A_44 = arith.constant dense<0.000000e+00> : vector<128x50xf32>
    %reduce_sum3A_45 = vector.multi_reduction <add>, %mul3A_43, %reduce_sum3A_44 [2] : vector<128x50x128xf32> to vector<128x50xf32>
    %mul3A_46 = arith.mulf %reshape3A, %reshape3A : vector<128x50x128xf32>
    %reduce_sum3A_47 = arith.constant dense<0.000000e+00> : vector<128x50xf32>
    %reduce_sum3A_48 = vector.multi_reduction <add>, %mul3A_46, %reduce_sum3A_47 [2] : vector<128x50x128xf32> to vector<128x50xf32>
    %mul3A_49 = arith.constant 2.000000e+00 : f32
    %mul3A_50 = vector.broadcast %mul3A_49 : f32 to vector<128x50xf32>
    %mul3A_51 = arith.mulf %mul3A_50, %reduce_sum3A_41 : vector<128x50xf32>
    %sub3A_52 = arith.subf %mul3A_51, %reduce_sum3A_48 : vector<128x50xf32>
    %sub3A_53 = vector.broadcast %broadcast_in_dim3A_29 : vector<128x1xf32> to vector<128x50xf32>
    %sub3A_54 = arith.subf %sub3A_52, %sub3A_53 : vector<128x50xf32>
    %reduce_max3A = arith.constant dense<0xFF800000> : vector<128xf32>
    %reduce_max3A_55 = vector.multi_reduction <maximumf>, %sub3A_54, %reduce_max3A [1] : vector<128x50xf32> to vector<128xf32>
    %max3A = arith.constant 0xFF800000 : f32
    %max3A_56 = vector.broadcast %max3A : f32 to vector<128xf32>
    %max3A_57 = arith.maximumf %max3A_56, %reduce_max3A_55 : vector<128xf32>
    %broadcast_in_dim3A_58 = vector.shape_cast %max3A_57 : vector<128xf32> to vector<128x1xf32>
    %sub3A_59 = vector.broadcast %broadcast_in_dim3A_58 : vector<128x1xf32> to vector<128x50xf32>
    %sub3A_60 = arith.subf %sub3A_54, %sub3A_59 : vector<128x50xf32>
    %exp3A_61 = math.exp %sub3A_60 : vector<128x50xf32>
    %reduce_sum3A_62 = arith.constant dense<0.000000e+00> : vector<128xf32>
    %reduce_sum3A_63 = vector.multi_reduction <add>, %exp3A_61, %reduce_sum3A_62 [1] : vector<128x50xf32> to vector<128xf32>
    %broadcast_in_dim3A_64 = vector.shape_cast %reduce_sum3A_63 : vector<128xf32> to vector<128x1xf32>
    %div3A = vector.broadcast %broadcast_in_dim3A_64 : vector<128x1xf32> to vector<128x50xf32>
    %div3A_65 = arith.divf %exp3A_61, %div3A : vector<128x50xf32>
    %mul3A_66 = arith.mulf %div3A_65, %get3A_23 : vector<128x50xf32>
    %mul3A_67 = arith.mulf %mul3A_66, %exp3A : vector<128x50xf32>
    %reduce_sum3A_68 = arith.constant dense<0.000000e+00> : vector<128xf32>
    %reduce_sum3A_69 = vector.multi_reduction <add>, %mul3A_67, %reduce_sum3A_68 [1] : vector<128x50xf32> to vector<128xf32>
    %broadcast_in_dim3A_70 = vector.shape_cast %reduce_sum3A_69 : vector<128xf32> to vector<128x1xf32>
    %mul3A_71 = arith.mulf %mul3A_67, %reduce_sum3A_48 : vector<128x50xf32>
    %reduce_sum3A_72 = arith.constant dense<0.000000e+00> : vector<128xf32>
    %reduce_sum3A_73 = vector.multi_reduction <add>, %mul3A_71, %reduce_sum3A_72 [1] : vector<128x50xf32> to vector<128xf32>
    %broadcast_in_dim3A_74 = vector.shape_cast %reduce_sum3A_73 : vector<128xf32> to vector<128x1xf32>
    %broadcast_in_dim3A_75 = vector.shape_cast %mul3A_67 : vector<128x50xf32> to vector<128x50x1xf32>
    %mul3A_76 = vector.broadcast %broadcast_in_dim3A_75 : vector<128x50x1xf32> to vector<128x50x128xf32>
    %mul3A_77 = arith.mulf %mul3A_76, %reshape3A : vector<128x50x128xf32>
    %reduce_sum3A_78 = arith.constant dense<0.000000e+00> : vector<128x128xf32>
    %reduce_sum3A_79 = vector.multi_reduction <add>, %mul3A_77, %reduce_sum3A_78 [1] : vector<128x50x128xf32> to vector<128x128xf32>
    %mul3A_80 = arith.constant 2.000000e+00 : f32
    %mul3A_81 = vector.broadcast %mul3A_80 : f32 to vector<128x50xf32>
    %mul3A_82 = arith.mulf %mul3A_81, %reduce_sum3A_45 : vector<128x50xf32>
    %sub3A_83 = arith.subf %mul3A_82, %reduce_sum3A_48 : vector<128x50xf32>
    %sub3A_84 = vector.broadcast %broadcast_in_dim3A_33 : vector<128x1xf32> to vector<128x50xf32>
    %sub3A_85 = arith.subf %sub3A_83, %sub3A_84 : vector<128x50xf32>
    %mul3A_86 = arith.constant 2.000000e+00 : f32
    %mul3A_87 = vector.broadcast %mul3A_86 : f32 to vector<128x1xf32>
    %mul3A_88 = arith.mulf %mul3A_87, %broadcast_in_dim3A_37 : vector<128x1xf32>
    %sub3A_89 = arith.subf %mul3A_88, %broadcast_in_dim3A_29 : vector<128x1xf32>
    %sub3A_90 = arith.subf %sub3A_89, %broadcast_in_dim3A_33 : vector<128x1xf32>
    %squeeze3A = vector.shape_cast %sub3A_90 : vector<128x1xf32> to vector<128xf32>
    %mul3A_91 = arith.mulf %mul3A_67, %sub3A_85 : vector<128x50xf32>
    %reduce_sum3A_92 = arith.constant dense<0.000000e+00> : vector<128xf32>
    %reduce_sum3A_93 = vector.multi_reduction <add>, %mul3A_91, %reduce_sum3A_92 [1] : vector<128x50xf32> to vector<128xf32>
    %add3A = arith.addf %squeeze3A, %reduce_sum3A_93 : vector<128xf32>
    %mul3A_94 = vector.broadcast %broadcast_in_dim3A : vector<128x1x128xf32> to vector<128x10x128xf32>
    %mul3A_95 = arith.mulf %mul3A_94, %reshape3A_11 : vector<128x10x128xf32>
    %reduce_sum3A_96 = arith.constant dense<0.000000e+00> : vector<128x10xf32>
    %reduce_sum3A_97 = vector.multi_reduction <add>, %mul3A_95, %reduce_sum3A_96 [2] : vector<128x10x128xf32> to vector<128x10xf32>
    %mul3A_98 = arith.mulf %reshape3A_11, %reshape3A_11 : vector<128x10x128xf32>
    %reduce_sum3A_99 = arith.constant dense<0.000000e+00> : vector<128x10xf32>
    %reduce_sum3A_100 = vector.multi_reduction <add>, %mul3A_98, %reduce_sum3A_99 [2] : vector<128x10x128xf32> to vector<128x10xf32>
    %broadcast_in_dim3A_101 = vector.shape_cast %reduce_sum3A_79 : vector<128x128xf32> to vector<128x1x128xf32>
    %mul3A_102 = vector.broadcast %broadcast_in_dim3A_101 : vector<128x1x128xf32> to vector<128x10x128xf32>
    %mul3A_103 = arith.mulf %mul3A_102, %reshape3A_11 : vector<128x10x128xf32>
    %reduce_sum3A_104 = arith.constant dense<0.000000e+00> : vector<128x10xf32>
    %reduce_sum3A_105 = vector.multi_reduction <add>, %mul3A_103, %reduce_sum3A_104 [2] : vector<128x10x128xf32> to vector<128x10xf32>
    %mul3A_106 = arith.constant 2.000000e+00 : f32
    %mul3A_107 = vector.broadcast %mul3A_106 : f32 to vector<128x10xf32>
    %mul3A_108 = arith.mulf %mul3A_107, %reduce_sum3A_97 : vector<128x10xf32>
    %sub3A_109 = arith.subf %mul3A_108, %reduce_sum3A_100 : vector<128x10xf32>
    %sub3A_110 = vector.broadcast %broadcast_in_dim3A_29 : vector<128x1xf32> to vector<128x10xf32>
    %sub3A_111 = arith.subf %sub3A_109, %sub3A_110 : vector<128x10xf32>
    %sub3A_112 = vector.broadcast %broadcast_in_dim3A_74 : vector<128x1xf32> to vector<128x10xf32>
    %sub3A_113 = arith.subf %sub3A_111, %sub3A_112 : vector<128x10xf32>
    %mul3A_114 = arith.constant 2.000000e+00 : f32
    %mul3A_115 = vector.broadcast %mul3A_114 : f32 to vector<128x10xf32>
    %mul3A_116 = arith.mulf %mul3A_115, %reduce_sum3A_105 : vector<128x10xf32>
    %add3A_117 = arith.addf %sub3A_113, %mul3A_116 : vector<128x10xf32>
    %mul3A_118 = vector.broadcast %broadcast_in_dim3A_70 : vector<128x1xf32> to vector<128x10xf32>
    %mul3A_119 = arith.mulf %mul3A_118, %reduce_sum3A_100 : vector<128x10xf32>
    %sub3A_120 = arith.subf %add3A_117, %mul3A_119 : vector<128x10xf32>
    %logistic3A = arith.negf %add3A : vector<128xf32>
    %logistic3A_121 = math.exp %logistic3A : vector<128xf32>
    %logistic3A_122 = arith.constant 1.000000e+00 : f32
    %logistic3A_123 = vector.broadcast %logistic3A_122 : f32 to vector<128xf32>
    %logistic3A_124 = arith.addf %logistic3A_123, %logistic3A_121 : vector<128xf32>
    %logistic3A_125 = arith.divf %logistic3A_123, %logistic3A_124 : vector<128xf32>
    %add3A_126 = arith.constant 9.99999997E-7 : f32
    %add3A_127 = vector.broadcast %add3A_126 : f32 to vector<128xf32>
    %add3A_128 = arith.addf %logistic3A_125, %add3A_127 : vector<128xf32>
    %log3A = math.log %add3A_128 : vector<128xf32>
    %neg3A = arith.constant 0.000000e+00 : f32
    %neg3A_129 = vector.broadcast %neg3A : f32 to vector<128xf32>
    %neg3A_130 = arith.subf %neg3A_129, %log3A : vector<128xf32>
    %neg3A_131 = arith.constant 0.000000e+00 : f32
    %neg3A_132 = vector.broadcast %neg3A_131 : f32 to vector<128x10xf32>
    %neg3A_133 = arith.subf %neg3A_132, %sub3A_120 : vector<128x10xf32>
    %logistic3A_134 = arith.negf %neg3A_133 : vector<128x10xf32>
    %logistic3A_135 = math.exp %logistic3A_134 : vector<128x10xf32>
    %logistic3A_136 = arith.constant 1.000000e+00 : f32
    %logistic3A_137 = vector.broadcast %logistic3A_136 : f32 to vector<128x10xf32>
    %logistic3A_138 = arith.addf %logistic3A_137, %logistic3A_135 : vector<128x10xf32>
    %logistic3A_139 = arith.divf %logistic3A_137, %logistic3A_138 : vector<128x10xf32>
    %add3A_140 = arith.constant 9.99999997E-7 : f32
    %add3A_141 = vector.broadcast %add3A_140 : f32 to vector<128x10xf32>
    %add3A_142 = arith.addf %logistic3A_139, %add3A_141 : vector<128x10xf32>
    %log3A_143 = math.log %add3A_142 : vector<128x10xf32>
    %reduce_sum3A_144 = arith.constant dense<0.000000e+00> : vector<128xf32>
    %reduce_sum3A_145 = vector.multi_reduction <add>, %log3A_143, %reduce_sum3A_144 [1] : vector<128x10xf32> to vector<128xf32>
    %sub3A_146 = arith.subf %neg3A_130, %reduce_sum3A_145 : vector<128xf32>
    %swap3A = arith.index_cast %arg0 : i32 to index
    %swap3A_147 = arith.constant 0 : index
    %swap3A_148 = vector.load %arg9[%swap3A, %swap3A_147] : memref<8x128xf32, #tpu.memory_space<vmem>>, vector<1x128xf32>
    %swap3A_149 = vector.shape_cast %swap3A_148 : vector<1x128xf32> to vector<128xf32>
    %swap3A_150 = vector.shape_cast %sub3A_146 : vector<128xf32> to vector<1x128xf32>
    tpu.vector_store %arg9[%swap3A, %swap3A_147], %swap3A_150 {strides = array<i32>} : memref<8x128xf32, #tpu.memory_space<vmem>>, vector<1x128xf32>,
    return
  }
  func.func @transform_0(%arg0: i32) -> (i32, i32) {
    %c0_i32 = arith.constant 0 : i32
    %c0_i32_0 = arith.constant 0 : i32
    return %arg0, %c0_i32 : i32, i32
  }
  func.func @transform_1(%arg0: i32) -> (i32, i32) {
    %c0_i32 = arith.constant 0 : i32
    %c0_i32_0 = arith.constant 0 : i32
    return %arg0, %c0_i32 : i32, i32
  }
  func.func @transform_2(%arg0: i32) -> (i32, i32) {
    %c0_i32 = arith.constant 0 : i32
    %c0_i32_0 = arith.constant 0 : i32
    return %arg0, %c0_i32 : i32, i32
  }
  func.func @transform_3(%arg0: i32) -> (i32, i32) {
    %c0_i32 = arith.constant 0 : i32
    %c0_i32_0 = arith.constant 0 : i32
    return %arg0, %c0_i32 : i32, i32
  }
  func.func @transform_4(%arg0: i32) -> (i32, i32) {
    %c0_i32 = arith.constant 0 : i32
    %c0_i32_0 = arith.constant 0 : i32
    return %arg0, %c0_i32 : i32, i32
  }
  func.func @transform_5(%arg0: i32) -> (i32, i32) {
    %c0_i32 = arith.constant 0 : i32
    %c0_i32_0 = arith.constant 0 : i32
    return %arg0, %c0_i32 : i32, i32
  }
  func.func @transform_6(%arg0: i32) -> (i32, i32) {
    %c0_i32 = arith.constant 0 : i32
    %c0_i32_0 = arith.constant 0 : i32
    return %arg0, %c0_i32 : i32, i32
  }
  func.func @transform_7(%arg0: i32) -> (i32, i32) {
    %c0_i32 = arith.constant 0 : i32
    %c0_i32_0 = arith.constant 0 : i32
    return %arg0, %c0_i32 : i32, i32
  }
  func.func @transform_8(%arg0: i32) -> (i32, i32) {
    %c0_i32 = arith.constant 0 : i32
    %c0_i32_0 = arith.constant 0 : i32
    %c0_i32_1 = arith.constant 0 : i32
    return %c0_i32, %c0_i32_0 : i32, i32
  }
}

</mosaic_0001>

<sc_bundles>
// kernel: kernel.4.cloned.1.call-start
scs
__scs_entry_jumppad:
0x0: {  	(pc) =	sbr.rel $0x88, $3  }
0x1: {  	(tag) =	ssettag $0x0;
	lr =	simm.s32 $0x1  }
0x2: {  	[smem:$0x3F98] =	sst lr;
	_ =	strace $0xD0000000  }
0x3: {  	_ = 	snop  }
0x4: {  	_ = 	snop  }
0x5: {  	_ = 	snop  }
0x6: {  	_ = 	snop  }
0x7: {  	_ = 	snop  }
__scs_overlays_trampoline_lowered:
0x8: {  	[smem:$0x3FA7] =	sst s0  }
0x9: {  	[smem:$0x3FA8] =	sst s1  }
0xa: {  	[smem:$0x3FA9] =	sst s2  }
0xb: {  	[smem:$0x3FAA] =	sst s3  }
0xc: {  	[smem:$0x3FAB] =	sst s4  }
0xd: {  	[smem:$0x3FAC] =	sst s5  }
0xe: {  	[smem:$0x3FAD] =	sst s6  }
0xf: {  	[smem:$0x3FAE] =	sst s7  }
0x10: {  	[smem:$0x3FAF] =	sst s8  }
0x11: {  	[smem:$0x3FB0] =	sst s9;
	s0 =	simm.s32 @!p0 $0x0  }
0x12: {  	s1 =	sld [smem:$0x3F96];
	s0 =	simm.s32 @p0 $0x1  }
0x13: {  	[smem:$0x3FB1] =	sst s0;
	s0 =	simm.s32 @!p1 $0x0  }
0x14: {  	s2 =	sld [smem:$0x3F95];
	s0 =	simm.s32 @p1 $0x1  }
0x15: {  	[smem:$0x3FB2] =	sst s0;
	s0 =	simm.s32 @!p2 $0x0  }
0x16: {  	s3 =	sld [smem:$0x3FDB];
	s0 =	simm.s32 @p2 $0x1  }
0x17: {  	s4 =	simm.s32 $0x1BF5;
	[smem:$0x3FB4] =	sst s0  }
0x18: {  	s0 =	sld [smem:$0x3F97];
	_ =	swait.ge [sflag:s4], $0x0  }
0x19: {  	s7 =	sld [smem:$0x3F98]  }
0x1a: {  	s8 =	sadd.s32 $0xFFFFE003, lr  }
0x1b: {  	s9 =	sadd.s32 $0xFFFFFEF7, lr;
	s5 =	simm.s32 $0xFFFFFFFF;
	p2 =	slt.u32 s8, $0xFFFFF086  }
0x1c: {  	p1 =	slt.u32 s9, $0xF7A;
	s5 =	simm.s32 @!p2 $0x0  }
0x1d: {  	s5 =	simm.s32 @p1 $0x1;
	p0 =	seq.s32 s7, s2  }
0x1e: {  	s7 =	smul.u32 @!p0 $0xF7A, s2;
	p2 =	seq.s32 @!p0 s5, $0x0  }
0x1f: {  	s9 =	smul.u32 $0xF7A, s1;
	s8 =	simm.s32 @!p0 $0x1BF5;
	p2 =	por !p2, p0  }
0x20: {  	[sflag:s8] =	ssyncset.s32 @!p0 $0xFFFFF086;
	s6 =	sadd.s32 @!p0 s3, s7;
	s7 =	simm.s32 @!p0 $0x108  }
0x21: {  	s3 =	sadd.s32 s3, s9;
	s6 =	sadd.s32 @!p0 $0x88, s6;
	s7 =	simm.s32 @p2 $0x1082  }
0x22: {  	[simem:s7], [sflag:s8] =	dma.local @!p0 [hbm:s6], $0xF7A  }
0x23: {  	s9 =	sor.u32 $0xD0000000, s2;
	s6 =	simm.s32 $0x108;
	_ =	swait.ge @!p0 [sflag:s8], $0x0  }
0x24: {  	s3 =	sadd.s32 $0x88, s3;
	s6 =	simm.s32 @!p1 $0x1082;
	[sflag:s4] =	ssyncset.s32 $0xFFFFF086  }
0x25: {  	[simem:s6], [sflag:s4] =	dma.local [hbm:s3], $0xF7A  }
0x26: {  	[smem:$0x3F98] =	sst s1;
	(tag) =	ssettag s2;
	_ =	strace s9  }
0x27: {  	s1 =	sld [smem:$0x3FA8]  }
0x28: {  	s2 =	sld [smem:$0x3FA9]  }
0x29: {  	s4 =	sld [smem:$0x3FAB]  }
0x2a: {  	p0 =	seq.s32 s5, $0x0;
	s5 =	sld [smem:$0x3FAC]  }
0x2b: {  	s6 =	sld [smem:$0x3FAD]  }
0x2c: {  	s7 =	sld [smem:$0x3FAE]  }
0x2d: {  	s3 =	simm.s32 $0x108;
	s8 =	sld [smem:$0x3FAF]  }
0x2e: {  	s3 =	simm.s32 @!p0 $0x1082;
	s9 =	sld [smem:$0x3FB0]  }
0x2f: {  	lr =	sadd.s32 s0, s3;
	s0 =	sld [smem:$0x3FA7]  }
0x30: {  	s3 =	sld [smem:$0x3FAA]  }
0x31: {  	[smem:$0x3FB3] =	sst s10  }
0x32: {  	s10 =	sld [smem:$0x3FB1];
	_ =	sdelay $0x3  }
0x33: {  	p0 =	seq.s32 s10, $0x1;
	s10 =	sld [smem:$0x3FB3];
	_ =	sdelay $0x3  }
0x34: {  	[smem:$0x3FB3] =	sst s10  }
0x35: {  	s10 =	sld [smem:$0x3FB2];
	_ =	sdelay $0x3  }
0x36: {  	p1 =	seq.s32 s10, $0x1;
	s10 =	sld [smem:$0x3FB3];
	_ =	sdelay $0x3  }
0x37: {  	[smem:$0x3FB3] =	sst s10  }
0x38: {  	s10 =	sld [smem:$0x3FB4]  }
0x39: {  	_ = 	snop;
	(pc) =	sbr.ind lr, $3  }
0x3a: {  	_ = 	snop  }
0x3b: {  	_ = 	snop  }
0x3c: {  	p2 =	seq.s32 s10, $0x1;
	s10 =	sld [smem:$0x3FB3]  }
0x3d: {  	_ =	shalt  }
0x3e: {  	_ =	shalt  }
0x3f: {  	_ =	shalt  }
0x40: {  	_ =	shalt  }
0x41: {  	_ =	shalt  }
0x42: {  	_ =	shalt  }
0x43: {  	_ =	shalt  }
0x44: {  	_ =	shalt  }
0x45: {  	_ =	shalt  }
0x46: {  	_ =	shalt  }
0x47: {  	_ =	shalt  }
0x48: {  	_ =	shalt  }
0x49: {  	_ =	shalt  }
0x4a: {  	_ =	shalt  }
0x4b: {  	_ =	shalt  }
0x4c: {  	_ =	shalt  }
0x4d: {  	_ =	shalt  }
0x4e: {  	_ =	shalt  }
0x4f: {  	_ =	shalt  }
0x50: {  	_ =	shalt  }
0x51: {  	_ =	shalt  }
0x52: {  	_ =	shalt  }
0x53: {  	_ =	shalt  }
0x54: {  	_ =	shalt  }
0x55: {  	_ =	shalt  }
0x56: {  	_ =	shalt  }
0x57: {  	_ =	shalt  }
0x58: {  	_ =	shalt  }
0x59: {  	_ =	shalt  }
0x5a: {  	_ =	shalt  }
0x5b: {  	_ =	shalt  }
0x5c: {  	_ =	shalt  }
0x5d: {  	_ =	shalt  }
0x5e: {  	_ =	shalt  }
0x5f: {  	_ =	shalt  }
0x60: {  	_ =	shalt  }
0x61: {  	_ =	shalt  }
0x62: {  	_ =	shalt  }
0x63: {  	_ =	shalt  }
0x64: {  	_ =	shalt  }
0x65: {  	_ =	shalt  }
0x66: {  	_ =	shalt  }
0x67: {  	_ =	shalt  }
0x68: {  	_ =	shalt  }
0x69: {  	_ =	shalt  }
0x6a: {  	_ =	shalt  }
0x6b: {  	_ =	shalt  }
0x6c: {  	_ =	shalt  }
0x6d: {  	_ =	shalt  }
0x6e: {  	_ =	shalt  }
0x6f: {  	_ =	shalt  }
0x70: {  	_ =	shalt  }
0x71: {  	_ =	shalt  }
0x72: {  	_ =	shalt  }
0x73: {  	_ =	shalt  }
0x74: {  	_ =	shalt  }
0x75: {  	_ =	shalt  }
0x76: {  	_ =	shalt  }
0x77: {  	_ =	shalt  }
0x78: {  	_ =	shalt  }
0x79: {  	_ =	shalt  }
0x7a: {  	_ =	shalt  }
0x7b: {  	_ =	shalt  }
0x7c: {  	_ =	shalt  }
0x7d: {  	_ =	shalt  }
0x7e: {  	_ =	shalt  }
0x7f: {  	_ =	shalt  }
0x80: {  	_ =	shalt  }
0x81: {  	_ =	shalt  }
0x82: {  	_ =	shalt  }
0x83: {  	_ =	shalt  }
0x84: {  	_ =	shalt  }
0x85: {  	_ =	shalt  }
0x86: {  	_ =	shalt  }
0x87: {  	_ =	shalt  }
.Lfunc_end0:
.L_simem_size_0:
called_computation_lowered:
.L_overlay_start_0:
0x88: {  	s2 =	sld [smem:$0x3FD9]  }
0x89: {  	s3 =	sld [smem:$0x3FFE];
	_ =	sdelay $0x1  }
0x8a: {  	s1 =	srdreg.scid  }
0x8b: {  	s0 =	sand.u32 $0x1, s1  }
0x8c: {  	s17 =	sshll.u32 s0, $0xA;
	s2 =	sadd.s32 s3, s2  }
0x8d: {  	s2 =	sadd.s32 s2, s17  }
0x8e: {  	[smem:$0x3FBF] =	sst s2  }
0x8f: {  	_ = 	snop  }
0x90: {  	s2 =	sld [smem:$0x3FC2];
	(tm) =	ssettm $0x1  }
0x91: {  	s18 =	sld [smem:$0x3FFB];
	_ =	sdelay $0x3  }
0x92: {  	_ =	strace s18  }
0x93: {  	s3 =	sld [smem:$0x3FFC];
	_ =	sdelay $0x3  }
0x94: {  	_ =	strace s3  }
0x95: {  	s3 =	sld [smem:$0x3FFD];
	_ =	sdelay $0x3  }
0x96: {  	_ =	strace s3  }
0x97: {  	_ =	strace $0x8FFFFFFF  }
0x98: {  	s19 =	sld [smem:$0x3FDB];
	_ =	sdelay $0x1  }
0x99: {  	s4 =	simm.s32 $_scs_section_size  }
0x9a: {  	s5 =	simm.s32 $_size__tile_overlayer_lowered;
	s6 =	simm.s32 $_tile_overlayer_lowered  }
0x9b: {  	s22 =	simm.s32 $0x1BFF;
	s21 =	sshll.u32 s6, $0x1;
	s3 =	sadd.s32 s4, s19  }
0x9c: {  	s7 =	simm.s32 $0x0;
	s20 =	sshll.u32 s5, $0x1;
	s5 =	sadd.s32 s21, s3  }
0x9d: {  	[timem:s7], [sflag:s22] =	dma.local [hbm:s5], s20  }
0x9e: {  	_ =	swait.ge [sflag:s22], s20  }
0x9f: {  	s4 =	ssub.s32 $0x0, s20;
	[sflag:s22] =	ssyncset.done $0x0  }
0xa0: {  	[sflag:s22] =	ssyncadd.s32 s4;
	_ =	sdelay $0x1  }
0xa1: {  	s23 =	simm.s32 $0x1B8B  }
0xa2: {  	_ =	swait.ge [sflag:s23], $0x1  }
0xa3: {  	[sflag:s23] =	ssyncset.done $0x0  }
0xa4: {  	s25 =	simm.s32 $0x1B8E;
	s24 =	sld [smem:$0x3FFE];
	[sflag:s23] =	ssyncadd.s32 $0xFFFFFFFF  }
0xa5: {  	s26 =	simm.s32 $execute0_lowered;
	[smem:$0x3FD2] =	sst s25  }
0xa6: {  	s5 =	sshll.u32 s26, $0x1;
	_ =	strace $0x80000046;
	[dreg:$0x1] =	wrdreg $0xFFFFFFFF  }
0xa7: {  	s28 =	simm.s32 $_size_execute0_lowered;
	s3 =	sadd.s32 s3, s5;
	[dreg:$0x0] =	wrdreg $0x0  }
0xa8: {  	s5 =	sshll.u32 s28, $0x1;
	[dreg:$0x2] =	wrdreg s3  }
0xa9: {  	[dreg:$0x3] =	wrdreg s5  }
0xaa: {  	[dreg:$0x4] =	wrdreg $0xC0  }
0xab: {  	_ =	task [dreg:s7], $0x5FFFF  }
0xac: {  	[dreg:$0x1] =	wrdreg $0xFFFFFFFF  }
0xad: {  	[dreg:$0x0] =	wrdreg $0x60  }
0xae: {  	[dreg:$0x2] =	wrdreg s2  }
0xaf: {  	[dreg:$0x3] =	wrdreg s24  }
0xb0: {  	[dreg:$0x4] =	wrdreg $0x9  }
0xb1: {  	_ =	task.clear_ibuf [dreg:s7], $0x5FFFF;
	_ =	strace $0x90000046  }
0xb2: {  	s29 =	simm.s32 $0x9;
	_ =	strace $0x80000048  }
0xb3: {  	_ =	swait.ge [sflag:s29], $0x1  }
0xb4: {  	[sflag:s29] =	ssyncadd.s32 $0xFFFFFFFF  }
0xb5: {  	_ =	strace $0x90000048  }
0xb6: {  	_ =	sfence  }
0xb7: {  	s30 =	sld [smem:$0x0];
	_ =	sdelay $0x2  }
0xb8: {  	s31 =	sshll.u32 s1, $0xD;
	s1 =	sshrl.u32 s1, $0x2  }
0xb9: {  	s3 =	sand.u32 $0x4000, s31;
	s1 =	sadd.s32 s1, s30  }
0xba: {  	s0 =	sor.u32 s3, s0;
	s1 =	sshll.u32 s1, $0x11  }
0xbb: {  	s0 =	sor.u32 s1, s0  }
0xbc: {  	s0 =	sadd.s32 $0x8F2B, s0  }
0xbd: {  	[sflag:s0] =	ssyncadd.remote.s32 $0x1  }
0xbe: {  	_ =	sfence.sel $0xFFFF  }
0xbf: {  	[dreg:$0x0] =	wrdreg $0xFFFFFFFF;
	(pc) =	sbr.abs _section_cstart, $3  }
0xc0: {  	[dreg:$0x1] =	wrdreg $0xFFFFFFFF  }
0xc1: {  	_ =	task.clear_ibuf [dreg:s7], $0x2FFFF;
	_ =	strace $0x9FFFFFFF  }
0xc2: {  	(tm) =	ssettm $0x7FFFFFFF  }
0xc3: {  	_ =	shalt  }
tec
execute0_lowered:
.L_overlay_start_1:
0x0: {  	(tag) =	ssettag $0x1  }
0x1: {  	s1 =	rddreg [dreg:$0x0]  }
0x2: {  	s0 =	rddreg [dreg:$0x1];
	s3 =	simm.s32 $0x0  }
0x3: {  	s2 =	srdreg.scid;
	s11 =	stileid.u32;
	s28 =	simm.s32 $0x40  }
0x4: {  	s29 =	simm.s32 $0x2500;
	s30 =	simm.s32 $0x0;
	[smem:$0x7FF] =	sst s3  }
0x5: {  	s2 =	sand.u32 $0x1, s2;
	s4 =	sshll.u32 s11, $0x1;
	s23 =	smul.u32 $0x64000, s11  }
0x6: {  	_ =	strace $0x80000047;
	s5 =	sor.u32 s2, s4;
	s10 =	ssub.s32 $0x2, s2  }
0x7: {  	s2 =	smul.u32 $0x32000, s2;
	s4 =	sshll.u32 s5, $0x4;
	s6 =	sshll.u32 s5, $0x7  }
0x8: {  	s7 =	smul.u32 $0xA000, s5;
	s17 =	sshll.u32 s5, $0x9;
	s18 =	sshrl.u32 s10, $0x1  }
0x9: {  	s5 =	smul.u32 $0x32000, s5;
	s8 =	sadd.s32 s4, s0;
	s6 =	sadd.s32 s6, s0  }
0xa: {  	s9 =	sadd.s32 s17, s0;
	s4 =	sadd.s32 $0x35C00, s0;
	s19 =	sadd.s32 $0x800, s8  }
0xb: {  	s2 =	sadd.s32 s2, s23;
	s8 =	sadd.s32 $0xA00, s8;
	[dreg:$0x3] =	wrdreg s19  }
0xc: {  	s23 =	simm.s32 $0x1100;
	s20 =	sadd.s32 $0xC00, s9;
	[dreg:$0x4] =	wrdreg s8  }
0xd: {  	s7 =	sshrl.u32 s7, $0x3;
	s6 =	sadd.s32 $0x4C00, s6;
	[dreg:$0x5] =	wrdreg s20  }
0xe: {  	s21 =	sadd.s32 $0x2DC00, s9;
	s22 =	sadd.s32 $0x31C00, s9;
	[dreg:$0x6] =	wrdreg s6  }
0xf: {  	s5 =	sshrl.u32 s5, $0x3;
	s0 =	sadd.s32 s7, s0;
	[dreg:$0x7] =	wrdreg s21  }
0x10: {  	s7 =	ssub.s32 s10, s18;
	[dreg:$0x8] =	wrdreg s22;
	s12 =	sadd.s32 s4, s5  }
0x11: {  	s19 =	sadd.s32 $0x2000, s2;
	s20 =	simm.s32 $0x6;
	s7 =	smax.u32 s7, $0x1  }
0x12: {  	s21 =	simm.s32 $0x80;
	s24 =	sadd.s32 $0x5C00, s0;
	[dreg:$0x9] =	wrdreg s7  }
0x13: {  	s22 =	simm.s32 $0x100;
	s25 =	sadd.s32 $0x6000, s0;
	[dreg:$0xa] =	wrdreg s24  }
0x14: {  	s2 =	simm.s32 $0x4;
	s26 =	sadd.s32 $0x6400, s0;
	[dreg:$0xb] =	wrdreg s25  }
0x15: {  	s31 =	sadd.s32 $0x6800, s0;
	s17 =	sadd.s32 $0x6C00, s0;
	[dreg:$0xc] =	wrdreg s26  }
0x16: {  	s18 =	sadd.s32 $0x6000, s12;
	s0 =	simm.s32 $0x2;
	[dreg:$0xd] =	wrdreg s31  }
0x17: {  	s24 =	simm.s32 $0x20;
	s25 =	simm.s32 $0x1500;
	s26 =	simm.s32 $0x1  }
.LBB2_1:
0x18: {  	s5 =	rddreg [dreg:$0x3]  }
0x19: {  	[tilespmem:s3], [sflag:$0x6] =	stream.linear.gather [hbm4b:s5+s3], $0x80, $0x38;
	[tilespmem:$0x6500] =	vst v63  }
0x1a: {  	_ =	swait.ge [sflag:s20], $0x80  }
0x1b: {  	[sflag:s20] =	ssyncset.done $0x0  }
0x1c: {  	s6 =	rddreg [dreg:$0x4];
	[sflag:s20] =	ssyncadd.s32 $0xFFFFFF80  }
0x1d: {  	[tilespmem:s21], [sflag:$0x6] =	stream.linear.gather [hbm4b:s6+s3], $0x80, $0x38;
	[tilespmem:$0x6500] =	vst v63  }
0x1e: {  	_ =	swait.ge [sflag:s20], $0x80  }
0x1f: {  	[sflag:s20] =	ssyncset.done $0x0  }
0x20: {  	s7 =	rddreg [dreg:$0x5];
	[sflag:s20] =	ssyncadd.s32 $0xFFFFFF80  }
0x21: {  	[tilespmem:s22], [sflag:$0x6] =	stream.linear.gather [hbm4b:s7+s3], $0xC80, $0x38;
	[tilespmem:$0x6500] =	vst v63  }
0x22: {  	_ =	swait.ge [sflag:s20], $0xC80  }
0x23: {  	[sflag:s20] =	ssyncset.done $0x0  }
0x24: {  	s8 =	rddreg [dreg:$0x6];
	[sflag:s20] =	ssyncadd.s32 $0xFFFFF380  }
0x25: {  	[tilespmem:s23], [sflag:$0x6] =	stream.linear.gather [hbm4b:s8+s3], $0x280, $0x38;
	[tilespmem:$0x6500] =	vst v63  }
0x26: {  	_ =	swait.ge [sflag:s20], $0x280  }
0x27: {  	[sflag:s20] =	ssyncset.done $0x0  }
0x28: {  	[sflag:s20] =	ssyncadd.s32 $0xFFFFFD80  }
0x29: {  	[tilespmem:s25], [sflag:$0x1] =	stream.indirect.gather [hbm4b:s1+s24], $0x80, s3, s24, $0xb8;
	[tilespmem:$0x6500] =	vst v63  }
0x2a: {  	_ =	swait.ge [sflag:s26], $0x1000  }
0x2b: {  	[sflag:s26] =	ssyncset.done $0x0  }
0x2c: {  	s9 =	rddreg [dreg:$0x7];
	[sflag:s26] =	ssyncadd.s32 $0xFFFFF000  }
0x2d: {  	[hbm4b:s9+s3] =	stream.linear.scatter [tilespmem:s25], [sflag:$0x6], $0x1000, $0x38;
	[tilespmem:$0x6500] =	vst v63  }
0x2e: {  	_ =	swait.ge [sflag:s20], $0x1000  }
0x2f: {  	[sflag:s20] =	ssyncset.done $0x0  }
0x30: {  	[sflag:s20] =	ssyncadd.s32 $0xFFFFF000  }
0x31: {  	[tilespmem:s25], [sflag:$0x1] =	stream.indirect.gather [hbm4b:s1+s24], $0x80, s21, s24, $0xb8;
	[tilespmem:$0x6500] =	vst v63  }
0x32: {  	_ =	swait.ge [sflag:s26], $0x1000  }
0x33: {  	[sflag:s26] =	ssyncset.done $0x0  }
0x34: {  	s10 =	rddreg [dreg:$0x8];
	[sflag:s26] =	ssyncadd.s32 $0xFFFFF000  }
0x35: {  	[hbm4b:s10+s3] =	stream.linear.scatter [tilespmem:s25], [sflag:$0x6], $0x1000, $0x38;
	[tilespmem:$0x6500] =	vst v63  }
0x36: {  	_ =	swait.ge [sflag:s20], $0x1000  }
0x37: {  	[sflag:s20] =	ssyncset.done $0x0  }
0x38: {  	[sflag:s20] =	ssyncadd.s32 $0xFFFFF000  }
0x39: {  	[tilespmem:s29], [sflag:$0x2] =	stream.indirect.gather [hbm4b:s1+s28], $0x80, s22, s28, $0xb8;
	[tilespmem:$0x6500] =	vst v63  }
0x3a: {  	_ =	swait.ge [sflag:s0], $0x2000  }
0x3b: {  	s11 =	simm.s32 $0x180;
	s13 =	simm.s32 $0x1;
	[sflag:s0] =	ssyncset.done $0x0  }
0x3c: {  	s6 =	simm.s32 $0x4500;
	s10 =	sand.u32 $0x1, s13;
	[sflag:s0] =	ssyncadd.s32 $0xFFFFE000  }
0x3d: {  	[tilespmem:s6], [sflag:$0x3] =	stream.indirect.gather [hbm4b:s1+s28], $0x80, s11, s28, $0xb8;
	[tilespmem:$0x6500] =	vst v63  }
0x3e: {  	s16 =	sshrl.u32 s19, $0x3;
	s5 =	sor.u32 $0x2, s10  }
0x3f: {  	[hbm4b:s12+s3] =	stream.linear.scatter [tilespmem:s29], [sflag:$0x4], $0x2000, $0x38;
	[tilespmem:$0x6500] =	vst v63  }
0x40: {  	s7 =	simm.s32 $0x2;
	s9 =	sand.u32 $0x1, s0;
	_ =	swait.ge [sflag:s5], $0x2000  }
0x41: {  	s8 =	simm.s32 $0x4;
	s14 =	sor.u32 $0x4, s9;
	[sflag:s5] =	ssyncset.done $0x0  }
0x42: {  	s31 =	sshll.u32 s9, $0xD;
	s9 =	sor.u32 $0x2, s9;
	[sflag:s5] =	ssyncadd.s32 $0xFFFFE000  }
0x43: {  	s15 =	sadd.s32 $0x2500, s31;
	s31 =	simm.s32 $0x280;
	_ =	swait.ge [sflag:s14], $0x2000  }
0x44: {  	s13 =	sshll.u32 s10, $0xD;
	s10 =	sor.u32 $0x4, s10;
	[sflag:s14] =	ssyncset.done $0x0  }
0x45: {  	s11 =	simm.s32 $0x200;
	s6 =	simm.s32 $0x3;
	[sflag:s14] =	ssyncadd.s32 $0xFFFFE000  }
0x46: {  	[tilespmem:s15], [sflag:s9] =	stream.indirect.gather [hbm4b:s1+s28], $0x80, s11, s28, $0xb8;
	[tilespmem:$0x6500] =	vst v63  }
0x47: {  	s5 =	sadd.s32 $0x2000, s19;
	s9 =	sadd.s32 $0x2500, s13;
	s11 =	sadd.s32 s4, s16  }
.LBB2_2:
0x48: {  	[hbm4b:s11+s3] =	stream.linear.scatter [tilespmem:s9], [sflag:s10], $0x2000, $0x38;
	[tilespmem:$0x6500] =	vst v63  }
0x49: {  	s9 =	smov.u32 s8;
	s10 =	smov.u32 s31  }
0x4a: {  	s13 =	sadd.s32 $0x1, s8;
	s11 =	sand.u32 $0x1, s7;
	s7 =	sadd.s32 $0xFFFFFFFF, s9  }
0x4b: {  	p0 =	sne.s32 s8, $0x18;
	s8 =	sshll.u32 s11, $0xD;
	s14 =	sor.u32 $0x2, s11  }
0x4c: {  	_ =	swait.ge [sflag:s14], $0x2000  }
0x4d: {  	s15 =	sand.u32 $0x1, s6;
	s6 =	smov.u32 s9;
	[sflag:s14] =	ssyncset.done $0x0  }
0x4e: {  	s9 =	sor.u32 $0x4, s15;
	[sflag:s14] =	ssyncadd.s32 $0xFFFFE000;
	s14 =	sshll.u32 s15, $0xD  }
0x4f: {  	s31 =	sadd.s32 $0x80, s31;
	s16 =	sshrl.u32 s5, $0x3;
	_ =	swait.ge [sflag:s9], $0x2000  }
.Ltmp0:
0x50: {  	s5 =	sadd.s32 $0x2000, s5;
	[sflag:s9] =	ssyncset.done $0x0;
	(pc) =	sbr.rel @p0 .LBB2_2-.Ltmp0, $4  }
0x51: {  	[sflag:s9] =	ssyncadd.s32 $0xFFFFE000;
	s9 =	sadd.s32 $0x2500, s14;
	s14 =	sor.u32 $0x2, s15  }
0x52: {  	[tilespmem:s9], [sflag:s14] =	stream.indirect.gather [hbm4b:s1+s28], $0x80, s10, s28, $0xb8;
	[tilespmem:$0x6500] =	vst v63  }
0x53: {  	s9 =	sadd.s32 $0x2500, s8  }
0x54: {  	s10 =	sor.u32 $0x4, s11;
	s11 =	sadd.s32 s4, s16;
	s8 =	smov.u32 s13  }
0x55: {  	[hbm4b:s11+s3] =	stream.linear.scatter [tilespmem:s9], [sflag:s10], $0x2000, $0x38;
	[tilespmem:$0x6500] =	vst v63  }
0x56: {  	s7 =	sand.u32 $0x1, s7  }
0x57: {  	s8 =	sor.u32 $0x2, s7  }
0x58: {  	_ =	swait.ge [sflag:s8], $0x2000  }
0x59: {  	s6 =	sand.u32 $0x1, s6;
	[sflag:s8] =	ssyncset.done $0x0  }
0x5a: {  	s14 =	sor.u32 $0x4, s6;
	[sflag:s8] =	ssyncadd.s32 $0xFFFFE000  }
0x5b: {  	_ =	swait.ge [sflag:s14], $0x2000  }
0x5c: {  	s15 =	sshll.u32 s6, $0xD;
	[sflag:s14] =	ssyncset.done $0x0  }
0x5d: {  	s6 =	sor.u32 $0x2, s6;
	s16 =	sadd.s32 $0x2500, s15;
	[sflag:s14] =	ssyncadd.s32 $0xFFFFE000  }
0x5e: {  	[tilespmem:s16], [sflag:s6] =	stream.indirect.gather [hbm4b:s1+s28], $0x80, s31, s28, $0xb8;
	[tilespmem:$0x6500] =	vst v63  }
0x5f: {  	s5 =	sshrl.u32 s5, $0x3;
	s31 =	sshll.u32 s7, $0xD  }
0x60: {  	s5 =	sadd.s32 s4, s5;
	s7 =	sor.u32 $0x4, s7;
	s6 =	sadd.s32 $0x2500, s31  }
0x61: {  	[hbm4b:s5+s3] =	stream.linear.scatter [tilespmem:s6], [sflag:s7], $0x2000, $0x38;
	[tilespmem:$0x6500] =	vst v63  }
0x62: {  	_ =	swait.ge [sflag:s0], $0x2000  }
0x63: {  	[sflag:s0] =	ssyncset.done $0x0  }
0x64: {  	[sflag:s0] =	ssyncadd.s32 $0xFFFFE000  }
0x65: {  	_ =	swait.ge [sflag:s7], $0x2000  }
0x66: {  	[sflag:s7] =	ssyncset.done $0x0  }
0x67: {  	[sflag:s7] =	ssyncadd.s32 $0xFFFFE000  }
0x68: {  	[hbm4b:s18+s3] =	stream.linear.scatter [tilespmem:s29], [sflag:$0x4], $0x2000, $0x38;
	[tilespmem:$0x6500] =	vst v63  }
0x69: {  	_ =	swait.ge [sflag:s2], $0x2000  }
0x6a: {  	[sflag:s2] =	ssyncset.done $0x0  }
0x6b: {  	[sflag:s2] =	ssyncadd.s32 $0xFFFFE000  }
0x6c: {  	[tilespmem:s29], [sflag:$0x1] =	stream.indirect.gather [hbm4b:s1+s28], $0x80, s23, s28, $0xb8;
	[tilespmem:$0x6500] =	vst v63  }
0x6d: {  	_ =	swait.ge [sflag:s26], $0x2000  }
0x6e: {  	[sflag:s26] =	ssyncset.done $0x0  }
0x6f: {  	s8 =	rddreg [dreg:$0xa];
	[sflag:s26] =	ssyncadd.s32 $0xFFFFE000  }
0x70: {  	[hbm4b:s8+s3] =	stream.linear.scatter [tilespmem:s29], [sflag:$0x6], $0x2000, $0x38;
	[tilespmem:$0x6500] =	vst v63  }
0x71: {  	_ =	swait.ge [sflag:s20], $0x2000  }
0x72: {  	[sflag:s20] =	ssyncset.done $0x0  }
0x73: {  	s9 =	simm.s32 $0x1180;
	[sflag:s20] =	ssyncadd.s32 $0xFFFFE000  }
0x74: {  	[tilespmem:s29], [sflag:$0x1] =	stream.indirect.gather [hbm4b:s1+s28], $0x80, s9, s28, $0xb8;
	[tilespmem:$0x6500] =	vst v63  }
0x75: {  	_ =	swait.ge [sflag:s26], $0x2000  }
0x76: {  	[sflag:s26] =	ssyncset.done $0x0  }
0x77: {  	s10 =	rddreg [dreg:$0xb];
	[sflag:s26] =	ssyncadd.s32 $0xFFFFE000  }
0x78: {  	[hbm4b:s10+s3] =	stream.linear.scatter [tilespmem:s29], [sflag:$0x6], $0x2000, $0x38;
	[tilespmem:$0x6500] =	vst v63  }
0x79: {  	_ =	swait.ge [sflag:s20], $0x2000  }
0x7a: {  	[sflag:s20] =	ssyncset.done $0x0  }
0x7b: {  	s11 =	simm.s32 $0x1200;
	[sflag:s20] =	ssyncadd.s32 $0xFFFFE000  }
0x7c: {  	[tilespmem:s29], [sflag:$0x1] =	stream.indirect.gather [hbm4b:s1+s28], $0x80, s11, s28, $0xb8;
	[tilespmem:$0x6500] =	vst v63  }
0x7d: {  	_ =	swait.ge [sflag:s26], $0x2000  }
0x7e: {  	[sflag:s26] =	ssyncset.done $0x0  }
0x7f: {  	s13 =	rddreg [dreg:$0xc];
	[sflag:s26] =	ssyncadd.s32 $0xFFFFE000  }
0x80: {  	[hbm4b:s13+s3] =	stream.linear.scatter [tilespmem:s29], [sflag:$0x6], $0x2000, $0x38;
	[tilespmem:$0x6500] =	vst v63  }
0x81: {  	_ =	swait.ge [sflag:s20], $0x2000  }
0x82: {  	[sflag:s20] =	ssyncset.done $0x0  }
0x83: {  	s14 =	simm.s32 $0x1280;
	[sflag:s20] =	ssyncadd.s32 $0xFFFFE000  }
0x84: {  	[tilespmem:s29], [sflag:$0x1] =	stream.indirect.gather [hbm4b:s1+s28], $0x80, s14, s28, $0xb8;
	[tilespmem:$0x6500] =	vst v63  }
0x85: {  	_ =	swait.ge [sflag:s26], $0x2000  }
0x86: {  	[sflag:s26] =	ssyncset.done $0x0  }
0x87: {  	s15 =	rddreg [dreg:$0xd];
	[sflag:s26] =	ssyncadd.s32 $0xFFFFE000  }
0x88: {  	[hbm4b:s15+s3] =	stream.linear.scatter [tilespmem:s29], [sflag:$0x6], $0x2000, $0x38;
	[tilespmem:$0x6500] =	vst v63  }
0x89: {  	_ =	swait.ge [sflag:s20], $0x2000  }
0x8a: {  	[sflag:s20] =	ssyncset.done $0x0  }
0x8b: {  	s16 =	simm.s32 $0x1300;
	[sflag:s20] =	ssyncadd.s32 $0xFFFFE000  }
0x8c: {  	[tilespmem:s29], [sflag:$0x1] =	stream.indirect.gather [hbm4b:s1+s28], $0x80, s16, s28, $0xb8;
	[tilespmem:$0x6500] =	vst v63  }
0x8d: {  	_ =	swait.ge [sflag:s26], $0x2000  }
0x8e: {  	[sflag:s26] =	ssyncset.done $0x0  }
0x8f: {  	[sflag:s26] =	ssyncadd.s32 $0xFFFFE000  }
0x90: {  	[hbm4b:s17+s3] =	stream.linear.scatter [tilespmem:s29], [sflag:$0x6], $0x2000, $0x38;
	[tilespmem:$0x6500] =	vst v63  }
0x91: {  	_ =	swait.ge [sflag:s20], $0x2000  }
0x92: {  	s30 =	sadd.s32 $0x1, s30;
	s31 =	rddreg [dreg:$0x9]  }
0x93: {  	p0 =	sne.s32 s30, s31  }
.Ltmp1:
0x94: {  	_ = 	snop;
	(pc) =	sbr.rel @p0 .LBB2_1-.Ltmp1, $3  }
0x95: {  	_ =	sdelay $0x1  }
0x96: {  	[sflag:s20] =	ssyncset.done $0x0  }
0x97: {  	[sflag:s20] =	ssyncadd.s32 $0xFFFFE000  }
0x98: {  	_ =	sfence.sel $0x180000  }
0x99: {  	[bflag:$0x0] =	sbarrier.arrive $0xFFFF  }
0x9a: {  	_ =	strace $0x90000047  }
0x9b: {  	s0 =	stileid.u32;
	[bflag:$0x2] =	sbarrier.arrive $0xFFFF  }
0x9c: {  	p0 =	sne.s32 s0, $0x0;
	s0 =	rddreg [dreg:$0x2]  }
0x9d: {  	s0 =	sadd.s32 @!p0 $0x100000, s0  }
0x9e: {  	[sflag:s0] =	ssyncadd.tile.s32 @!p0 $0x1;
	_ =	shalt  }
.Lfunc_end2:
_tile_overlayer_lowered:
.L_overlay_start_2:
0x9f: {  	(tag) =	ssettag $0x2  }
0xa0: {  	s0 =	rddreg [dreg:$0x0];
	s2 =	stileid.u32  }
0xa1: {  	s1 =	rddreg [dreg:$0x1];
	p0 =	sne.s32 s2, $0x0  }
0xa2: {  	s3 =	rddreg [dreg:$0x2];
	[bflag:$0x3] =	sbarrier.arrive $0xFFFF;
	s2 =	simm.s32 @!p0 $0x1C06  }
0xa3: {  	[timem:s3], [sflag:s2] =	dma.local @!p0 [hbm:s0], s1  }
0xa4: {  	s0 =	simm.s32 @!p0 $0x6  }
0xa5: {  	_ =	swait.ge @!p0 [sflag:s0], s1  }
0xa6: {  	s1 =	ssub.s32 @!p0 $0x0, s1;
	[sflag:s0] =	ssyncset.done @!p0 $0x0  }
0xa7: {  	[sflag:s0] =	ssyncadd.s32 @!p0 s1  }
0xa8: {  	[bflag:$0x3] =	sbarrier.arrive $0xFFFF  }
0xa9: {  	_ =	shalt  }

</sc_bundles>
